<compile_context>
chip_gen: v7x
topology: tpu7x:2x2x1
jax: 0.10.2.dev20260603
libtpu: 0.0.44.dev20260713+nightly
codegen_flags: <defaults>
</compile_context>

<pallas_src>
import functools

import jax
import jax.numpy as jnp
from jax import lax
from jax.experimental import pallas as pl
from jax.experimental.pallas import tpu as pltpu
from jax.experimental.pallas import tpu_sc as plsc

K = 100000
DIM = 128
B = 16384

_INFO = plsc.get_sparse_core_info()
_NC, _NS = _INFO.num_cores, _INFO.num_subcores
_NW = _NC * _NS

_CH = 256
_VCH = B // _CH
_NCHUNK = _VCH + (K - B + _CH - 1) // _CH
_NITER = (_NCHUNK + _NW - 1) // _NW


@functools.partial(
    pl.kernel,
    mesh=plsc.VectorSubcoreMesh(core_axis_name="c", subcore_axis_name="s"),
    out_type=jax.ShapeDtypeStruct((K, DIM), jnp.float32),
    scratch_types=[
        pltpu.VMEM((_CH, DIM), jnp.float32),
        pltpu.VMEM((_CH, DIM), jnp.float32),
        pltpu.VMEM((_CH, DIM), jnp.float32),
        pltpu.SemaphoreType.DMA,
        pltpu.SemaphoreType.DMA,
        pltpu.SemaphoreType.DMA,
        pltpu.SemaphoreType.DMA,
        pltpu.SemaphoreType.DMA,
        pltpu.SemaphoreType.DMA,
    ],
)
def _push(bank_hbm, value_hbm, out_hbm, buf0, buf1, buf2,
          si0, si1, si2, so0, so1, so2):
    wid = lax.axis_index("s") * _NC + lax.axis_index("c")
    bufs, sin, sout = (buf0, buf1, buf2), (si0, si1, si2), (so0, so1, so2)

    def chunk_row(i):
        c = jnp.minimum(wid + i * _NW, _NCHUNK - 1)
        row = jnp.minimum(c * _CH, K - _CH)
        return c, pl.multiple_of(row, 8)

    def start_in(i):
        b = i % 3
        c, row = chunk_row(i)

        @pl.when(c < _VCH)
        def _():
            pltpu.make_async_copy(
                value_hbm.at[pl.ds(row, _CH)], bufs[b], sin[b]).start()

        @pl.when(c >= _VCH)
        def _():
            pltpu.make_async_copy(
                bank_hbm.at[pl.ds(row, _CH)], bufs[b], sin[b]).start()

    out_handles = [None, None, None]
    start_in(0)
    for i in range(_NITER):
        b = i % 3
        if i + 1 < _NITER:
            bn = (i + 1) % 3
            if out_handles[bn] is not None:
                out_handles[bn].wait()
                out_handles[bn] = None
            start_in(i + 1)
        _, row = chunk_row(i)
        pltpu.make_async_copy(
            bank_hbm.at[pl.ds(row, _CH)], bufs[b], sin[b]).wait()

        oh = pltpu.make_async_copy(bufs[b], out_hbm.at[pl.ds(row, _CH)], sout[b])
        oh.start()
        out_handles[b] = oh
    for oh in out_handles:
        if oh is not None:
            oh.wait()


def kernel(bank, value):
    return _push(bank, value)

# --- scband reference (transcript-rebuilt; emitter-appended) ---
"""Pipeline reference for scband-memory-bank-86131274154944 (READ-ONLY COPY).

The authoritative reference and input builder live on the scoring server;
editing this copy changes nothing except your own understanding.
"""

import jax, jax.numpy as jnp
import numpy as np

K = 100000
DIM = 128
B = 16384

def setup_inputs(seed: int = 0) -> dict:
    key = jax.random.key(seed)
    k1, k2 = jax.random.split(key)
    # buffer created by MemoryBank.register(name, dim): torch.rand(k, dim)
    bank = jax.random.uniform(k1, (K, DIM), dtype=jnp.float32)
    # value pushed into the bank
    value = jax.random.normal(k2, (B, DIM), dtype=jnp.float32)
    return {"bank": bank, "value": value}

def reference(bank, value):
    # Faithful translation of MemoryBank.push(name, value) with ptr (self.offsets[name]) == 0.
    # `gather(value)` is a distributed all-gather; identity on a single device.
    k = bank.shape[0]
    ptr = 0
    batch_size = value.shape[0]
    if ptr + batch_size > k:
        batch_size = k - ptr
        value = value[:batch_size]
    # self[name][ptr:ptr+batch_size] = value  -> scatter-overwrite of contiguous rows
    new_bank = jax.lax.dynamic_update_slice(bank, value, (ptr, 0))
    new_ptr = (ptr + batch_size) % k  # offset bookkeeping (python int, not returned)
    del new_ptr
    return new_bank

if __name__ == "__main__":
    import jax
    _d = setup_inputs()
    print(jax.jit(kernel)(*tuple(_d.values())))

</pallas_src>

<mosaic_0001>
#map = affine_map<(d0, d1) -> (0, 0)>
module attributes {stable_mosaic.version = 14 : i64} {
  func.func @_push(%arg0: i32, %arg1: i32, %arg2: memref<100000x128xf32, #tpu.memory_space<hbm>>, %arg3: memref<16384x128xf32, #tpu.memory_space<hbm>>, %arg4: memref<100000x128xf32, #tpu.memory_space<hbm>>, %arg5: memref<256x128xf32, #tpu.memory_space<vmem>>, %arg6: memref<256x128xf32, #tpu.memory_space<vmem>>, %arg7: memref<256x128xf32, #tpu.memory_space<vmem>>, %arg8: memref<!tpu.dma_semaphore, #tpu.memory_space<semaphore_mem>>, %arg9: memref<!tpu.dma_semaphore, #tpu.memory_space<semaphore_mem>>, %arg10: memref<!tpu.dma_semaphore, #tpu.memory_space<semaphore_mem>>, %arg11: memref<!tpu.dma_semaphore, #tpu.memory_space<semaphore_mem>>, %arg12: memref<!tpu.dma_semaphore, #tpu.memory_space<semaphore_mem>>, %arg13: memref<!tpu.dma_semaphore, #tpu.memory_space<semaphore_mem>>) attributes {dimension_semantics = [#tpu.dimension_semantics<core_parallel>, #tpu.dimension_semantics<subcore_parallel>], iteration_bounds = array<i64: 2, 16>, scalar_prefetch = 0 : i64, scratch_operands = 9 : i64, tpu.core_type = #tpu.core_type<sc_vector_subcore>, window_params = [{transform_indices = #map}, {transform_indices = #map}, {transform_indices = #map}]} {
    %mul3A = arith.constant 2 : i32
    %mul3A_0 = arith.muli %arg1, %mul3A : i32
    %add3A = arith.addi %mul3A_0, %arg0 : i32
    %add3A_1 = arith.constant 0 : i32
    %add3A_2 = arith.addi %add3A, %add3A_1 : i32
    %min3A = arith.constant 390 : i32
    %min3A_3 = arith.minsi %add3A_2, %min3A : i32
    %mul3A_4 = arith.constant 256 : i32
    %mul3A_5 = arith.muli %min3A_3, %mul3A_4 : i32
    %min3A_6 = arith.constant 99744 : i32
    %min3A_7 = arith.minsi %mul3A_5, %min3A_6 : i32
    %multiple_of3A = tpu.assume_multiple %min3A_7, 8 : i32
    %lt3A = arith.constant 64 : i32
    %lt3A_8 = arith.cmpi slt, %min3A_3, %lt3A : i32
    %convert_element_type3A = arith.extui %lt3A_8 : i1 to i32
    %cond3A = arith.constant 0 : i32
    %cond3A_9 = arith.cmpi ne, %convert_element_type3A, %cond3A : i32
    scf.if %cond3A_9 {
      %dma_start3A_513 = arith.constant 0 : i32
      %dma_start3A_514 = tpu.memref_slice %arg3[%multiple_of3A, %dma_start3A_513] : memref<16384x128xf32, #tpu.memory_space<hbm>> -> memref<256x128xf32, #tpu.memory_space<hbm>>
      %dma_start3A_515 = arith.constant 0 : i32
      %dma_start3A_516 = tpu.memref_slice %arg3[%multiple_of3A, %dma_start3A_515] : memref<16384x128xf32, #tpu.memory_space<hbm>> -> memref<256x128xf32, #tpu.memory_space<hbm>>
      tpu.enqueue_dma source(%dma_start3A_516 : memref<256x128xf32, #tpu.memory_space<hbm>>) target(%arg5 : memref<256x128xf32, #tpu.memory_space<vmem>>) target_semaphore(%arg8 : memref<!tpu.dma_semaphore, #tpu.memory_space<semaphore_mem>>)
    } else {
    }
    %ge3A = arith.constant 64 : i32
    %ge3A_10 = arith.cmpi sge, %min3A_3, %ge3A : i32
    %convert_element_type3A_11 = arith.extui %ge3A_10 : i1 to i32
    %cond3A_12 = arith.constant 0 : i32
    %cond3A_13 = arith.cmpi ne, %convert_element_type3A_11, %cond3A_12 : i32
    scf.if %cond3A_13 {
      %dma_start3A_513 = arith.constant 0 : i32
      %dma_start3A_514 = tpu.memref_slice %arg2[%multiple_of3A, %dma_start3A_513] : memref<100000x128xf32, #tpu.memory_space<hbm>> -> memref<256x128xf32, #tpu.memory_space<hbm>>
      %dma_start3A_515 = arith.constant 0 : i32
      %dma_start3A_516 = tpu.memref_slice %arg2[%multiple_of3A, %dma_start3A_515] : memref<100000x128xf32, #tpu.memory_space<hbm>> -> memref<256x128xf32, #tpu.memory_space<hbm>>
      tpu.enqueue_dma source(%dma_start3A_516 : memref<256x128xf32, #tpu.memory_space<hbm>>) target(%arg5 : memref<256x128xf32, #tpu.memory_space<vmem>>) target_semaphore(%arg8 : memref<!tpu.dma_semaphore, #tpu.memory_space<semaphore_mem>>)
    } else {
    }
    %add3A_14 = arith.constant 32 : i32
    %add3A_15 = arith.addi %add3A, %add3A_14 : i32
    %min3A_16 = arith.constant 390 : i32
    %min3A_17 = arith.minsi %add3A_15, %min3A_16 : i32
    %mul3A_18 = arith.constant 256 : i32
    %mul3A_19 = arith.muli %min3A_17, %mul3A_18 : i32
    %min3A_20 = arith.constant 99744 : i32
    %min3A_21 = arith.minsi %mul3A_19, %min3A_20 : i32
    %multiple_of3A_22 = tpu.assume_multiple %min3A_21, 8 : i32
    %lt3A_23 = arith.constant 64 : i32
    %lt3A_24 = arith.cmpi slt, %min3A_17, %lt3A_23 : i32
    %convert_element_type3A_25 = arith.extui %lt3A_24 : i1 to i32
    %cond3A_26 = arith.constant 0 : i32
    %cond3A_27 = arith.cmpi ne, %convert_element_type3A_25, %cond3A_26 : i32
    scf.if %cond3A_27 {
      %dma_start3A_513 = arith.constant 0 : i32
      %dma_start3A_514 = tpu.memref_slice %arg3[%multiple_of3A_22, %dma_start3A_513] : memref<16384x128xf32, #tpu.memory_space<hbm>> -> memref<256x128xf32, #tpu.memory_space<hbm>>
      %dma_start3A_515 = arith.constant 0 : i32
      %dma_start3A_516 = tpu.memref_slice %arg3[%multiple_of3A_22, %dma_start3A_515] : memref<16384x128xf32, #tpu.memory_space<hbm>> -> memref<256x128xf32, #tpu.memory_space<hbm>>
      tpu.enqueue_dma source(%dma_start3A_516 : memref<256x128xf32, #tpu.memory_space<hbm>>) target(%arg6 : memref<256x128xf32, #tpu.memory_space<vmem>>) target_semaphore(%arg9 : memref<!tpu.dma_semaphore, #tpu.memory_space<semaphore_mem>>)
    } else {
    }
    %ge3A_28 = arith.constant 64 : i32
    %ge3A_29 = arith.cmpi sge, %min3A_17, %ge3A_28 : i32
    %convert_element_type3A_30 = arith.extui %ge3A_29 : i1 to i32
    %cond3A_31 = arith.constant 0 : i32
    %cond3A_32 = arith.cmpi ne, %convert_element_type3A_30, %cond3A_31 : i32
    scf.if %cond3A_32 {
      %dma_start3A_513 = arith.constant 0 : i32
      %dma_start3A_514 = tpu.memref_slice %arg2[%multiple_of3A_22, %dma_start3A_513] : memref<100000x128xf32, #tpu.memory_space<hbm>> -> memref<256x128xf32, #tpu.memory_space<hbm>>
      %dma_start3A_515 = arith.constant 0 : i32
      %dma_start3A_516 = tpu.memref_slice %arg2[%multiple_of3A_22, %dma_start3A_515] : memref<100000x128xf32, #tpu.memory_space<hbm>> -> memref<256x128xf32, #tpu.memory_space<hbm>>
      tpu.enqueue_dma source(%dma_start3A_516 : memref<256x128xf32, #tpu.memory_space<hbm>>) target(%arg6 : memref<256x128xf32, #tpu.memory_space<vmem>>) target_semaphore(%arg9 : memref<!tpu.dma_semaphore, #tpu.memory_space<semaphore_mem>>)
    } else {
    }
    %add3A_33 = arith.constant 0 : i32
    %add3A_34 = arith.addi %add3A, %add3A_33 : i32
    %min3A_35 = arith.constant 390 : i32
    %min3A_36 = arith.minsi %add3A_34, %min3A_35 : i32
    %mul3A_37 = arith.constant 256 : i32
    %mul3A_38 = arith.muli %min3A_36, %mul3A_37 : i32
    %min3A_39 = arith.constant 99744 : i32
    %min3A_40 = arith.minsi %mul3A_38, %min3A_39 : i32
    %multiple_of3A_41 = tpu.assume_multiple %min3A_40, 8 : i32
    %dma_wait3A = arith.constant 0 : i32
    %dma_wait3A_42 = tpu.memref_slice %arg2[%multiple_of3A_41, %dma_wait3A] : memref<100000x128xf32, #tpu.memory_space<hbm>> -> memref<256x128xf32, #tpu.memory_space<hbm>>
    %dma_wait3A_43 = arith.constant 0 : i32
    %dma_wait3A_44 = tpu.memref_slice %arg2[%multiple_of3A_41, %dma_wait3A_43] : memref<100000x128xf32, #tpu.memory_space<hbm>> -> memref<256x128xf32, #tpu.memory_space<hbm>>
    tpu.wait_dma2 semaphore(%arg8 : memref<!tpu.dma_semaphore, #tpu.memory_space<semaphore_mem>>) src(%dma_wait3A_44 : memref<256x128xf32, #tpu.memory_space<hbm>>) dst(%arg5 : memref<256x128xf32, #tpu.memory_space<vmem>>)
    %dma_start3A = arith.constant 0 : i32
    %dma_start3A_45 = tpu.memref_slice %arg4[%multiple_of3A_41, %dma_start3A] : memref<100000x128xf32, #tpu.memory_space<hbm>> -> memref<256x128xf32, #tpu.memory_space<hbm>>
    %dma_start3A_46 = arith.constant 0 : i32
    %dma_start3A_47 = tpu.memref_slice %arg4[%multiple_of3A_41, %dma_start3A_46] : memref<100000x128xf32, #tpu.memory_space<hbm>> -> memref<256x128xf32, #tpu.memory_space<hbm>>
    tpu.enqueue_dma source(%arg5 : memref<256x128xf32, #tpu.memory_space<vmem>>) target(%dma_start3A_47 : memref<256x128xf32, #tpu.memory_space<hbm>>) target_semaphore(%arg11 : memref<!tpu.dma_semaphore, #tpu.memory_space<semaphore_mem>>)
    %add3A_48 = arith.constant 64 : i32
    %add3A_49 = arith.addi %add3A, %add3A_48 : i32
    %min3A_50 = arith.constant 390 : i32
    %min3A_51 = arith.minsi %add3A_49, %min3A_50 : i32
    %mul3A_52 = arith.constant 256 : i32
    %mul3A_53 = arith.muli %min3A_51, %mul3A_52 : i32
    %min3A_54 = arith.constant 99744 : i32
    %min3A_55 = arith.minsi %mul3A_53, %min3A_54 : i32
    %multiple_of3A_56 = tpu.assume_multiple %min3A_55, 8 : i32
    %lt3A_57 = arith.constant 64 : i32
    %lt3A_58 = arith.cmpi slt, %min3A_51, %lt3A_57 : i32
    %convert_element_type3A_59 = arith.extui %lt3A_58 : i1 to i32
    %cond3A_60 = arith.constant 0 : i32
    %cond3A_61 = arith.cmpi ne, %convert_element_type3A_59, %cond3A_60 : i32
    scf.if %cond3A_61 {
      %dma_start3A_513 = arith.constant 0 : i32
      %dma_start3A_514 = tpu.memref_slice %arg3[%multiple_of3A_56, %dma_start3A_513] : memref<16384x128xf32, #tpu.memory_space<hbm>> -> memref<256x128xf32, #tpu.memory_space<hbm>>
      %dma_start3A_515 = arith.constant 0 : i32
      %dma_start3A_516 = tpu.memref_slice %arg3[%multiple_of3A_56, %dma_start3A_515] : memref<16384x128xf32, #tpu.memory_space<hbm>> -> memref<256x128xf32, #tpu.memory_space<hbm>>
      tpu.enqueue_dma source(%dma_start3A_516 : memref<256x128xf32, #tpu.memory_space<hbm>>) target(%arg7 : memref<256x128xf32, #tpu.memory_space<vmem>>) target_semaphore(%arg10 : memref<!tpu.dma_semaphore, #tpu.memory_space<semaphore_mem>>)
    } else {
    }
    %ge3A_62 = arith.constant 64 : i32
    %ge3A_63 = arith.cmpi sge, %min3A_51, %ge3A_62 : i32
    %convert_element_type3A_64 = arith.extui %ge3A_63 : i1 to i32
    %cond3A_65 = arith.constant 0 : i32
    %cond3A_66 = arith.cmpi ne, %convert_element_type3A_64, %cond3A_65 : i32
    scf.if %cond3A_66 {
      %dma_start3A_513 = arith.constant 0 : i32
      %dma_start3A_514 = tpu.memref_slice %arg2[%multiple_of3A_56, %dma_start3A_513] : memref<100000x128xf32, #tpu.memory_space<hbm>> -> memref<256x128xf32, #tpu.memory_space<hbm>>
      %dma_start3A_515 = arith.constant 0 : i32
      %dma_start3A_516 = tpu.memref_slice %arg2[%multiple_of3A_56, %dma_start3A_515] : memref<100000x128xf32, #tpu.memory_space<hbm>> -> memref<256x128xf32, #tpu.memory_space<hbm>>
      tpu.enqueue_dma source(%dma_start3A_516 : memref<256x128xf32, #tpu.memory_space<hbm>>) target(%arg7 : memref<256x128xf32, #tpu.memory_space<vmem>>) target_semaphore(%arg10 : memref<!tpu.dma_semaphore, #tpu.memory_space<semaphore_mem>>)
    } else {
    }
    %add3A_67 = arith.constant 32 : i32
    %add3A_68 = arith.addi %add3A, %add3A_67 : i32
    %min3A_69 = arith.constant 390 : i32
    %min3A_70 = arith.minsi %add3A_68, %min3A_69 : i32
    %mul3A_71 = arith.constant 256 : i32
    %mul3A_72 = arith.muli %min3A_70, %mul3A_71 : i32
    %min3A_73 = arith.constant 99744 : i32
    %min3A_74 = arith.minsi %mul3A_72, %min3A_73 : i32
    %multiple_of3A_75 = tpu.assume_multiple %min3A_74, 8 : i32
    %dma_wait3A_76 = arith.constant 0 : i32
    %dma_wait3A_77 = tpu.memref_slice %arg2[%multiple_of3A_75, %dma_wait3A_76] : memref<100000x128xf32, #tpu.memory_space<hbm>> -> memref<256x128xf32, #tpu.memory_space<hbm>>
    %dma_wait3A_78 = arith.constant 0 : i32
    %dma_wait3A_79 = tpu.memref_slice %arg2[%multiple_of3A_75, %dma_wait3A_78] : memref<100000x128xf32, #tpu.memory_space<hbm>> -> memref<256x128xf32, #tpu.memory_space<hbm>>
    tpu.wait_dma2 semaphore(%arg9 : memref<!tpu.dma_semaphore, #tpu.memory_space<semaphore_mem>>) src(%dma_wait3A_79 : memref<256x128xf32, #tpu.memory_space<hbm>>) dst(%arg6 : memref<256x128xf32, #tpu.memory_space<vmem>>)
    %dma_start3A_80 = arith.constant 0 : i32
    %dma_start3A_81 = tpu.memref_slice %arg4[%multiple_of3A_75, %dma_start3A_80] : memref<100000x128xf32, #tpu.memory_space<hbm>> -> memref<256x128xf32, #tpu.memory_space<hbm>>
    %dma_start3A_82 = arith.constant 0 : i32
    %dma_start3A_83 = tpu.memref_slice %arg4[%multiple_of3A_75, %dma_start3A_82] : memref<100000x128xf32, #tpu.memory_space<hbm>> -> memref<256x128xf32, #tpu.memory_space<hbm>>
    tpu.enqueue_dma source(%arg6 : memref<256x128xf32, #tpu.memory_space<vmem>>) target(%dma_start3A_83 : memref<256x128xf32, #tpu.memory_space<hbm>>) target_semaphore(%arg12 : memref<!tpu.dma_semaphore, #tpu.memory_space<semaphore_mem>>)
    %dma_wait3A_84 = arith.constant 0 : i32
    %dma_wait3A_85 = tpu.memref_slice %arg4[%multiple_of3A_41, %dma_wait3A_84] : memref<100000x128xf32, #tpu.memory_space<hbm>> -> memref<256x128xf32, #tpu.memory_space<hbm>>
    %dma_wait3A_86 = arith.constant 0 : i32
    %dma_wait3A_87 = tpu.memref_slice %arg4[%multiple_of3A_41, %dma_wait3A_86] : memref<100000x128xf32, #tpu.memory_space<hbm>> -> memref<256x128xf32, #tpu.memory_space<hbm>>
    tpu.wait_dma2 semaphore(%arg11 : memref<!tpu.dma_semaphore, #tpu.memory_space<semaphore_mem>>) src(%arg5 : memref<256x128xf32, #tpu.memory_space<vmem>>) dst(%dma_wait3A_87 : memref<256x128xf32, #tpu.memory_space<hbm>>)
    %add3A_88 = arith.constant 96 : i32
    %add3A_89 = arith.addi %add3A, %add3A_88 : i32
    %min3A_90 = arith.constant 390 : i32
    %min3A_91 = arith.minsi %add3A_89, %min3A_90 : i32
    %mul3A_92 = arith.constant 256 : i32
    %mul3A_93 = arith.muli %min3A_91, %mul3A_92 : i32
    %min3A_94 = arith.constant 99744 : i32
    %min3A_95 = arith.minsi %mul3A_93, %min3A_94 : i32
    %multiple_of3A_96 = tpu.assume_multiple %min3A_95, 8 : i32
    %lt3A_97 = arith.constant 64 : i32
    %lt3A_98 = arith.cmpi slt, %min3A_91, %lt3A_97 : i32
    %convert_element_type3A_99 = arith.extui %lt3A_98 : i1 to i32
    %cond3A_100 = arith.constant 0 : i32
    %cond3A_101 = arith.cmpi ne, %convert_element_type3A_99, %cond3A_100 : i32
    scf.if %cond3A_101 {
      %dma_start3A_513 = arith.constant 0 : i32
      %dma_start3A_514 = tpu.memref_slice %arg3[%multiple_of3A_96, %dma_start3A_513] : memref<16384x128xf32, #tpu.memory_space<hbm>> -> memref<256x128xf32, #tpu.memory_space<hbm>>
      %dma_start3A_515 = arith.constant 0 : i32
      %dma_start3A_516 = tpu.memref_slice %arg3[%multiple_of3A_96, %dma_start3A_515] : memref<16384x128xf32, #tpu.memory_space<hbm>> -> memref<256x128xf32, #tpu.memory_space<hbm>>
      tpu.enqueue_dma source(%dma_start3A_516 : memref<256x128xf32, #tpu.memory_space<hbm>>) target(%arg5 : memref<256x128xf32, #tpu.memory_space<vmem>>) target_semaphore(%arg8 : memref<!tpu.dma_semaphore, #tpu.memory_space<semaphore_mem>>)
    } else {
    }
    %ge3A_102 = arith.constant 64 : i32
    %ge3A_103 = arith.cmpi sge, %min3A_91, %ge3A_102 : i32
    %convert_element_type3A_104 = arith.extui %ge3A_103 : i1 to i32
    %cond3A_105 = arith.constant 0 : i32
    %cond3A_106 = arith.cmpi ne, %convert_element_type3A_104, %cond3A_105 : i32
    scf.if %cond3A_106 {
      %dma_start3A_513 = arith.constant 0 : i32
      %dma_start3A_514 = tpu.memref_slice %arg2[%multiple_of3A_96, %dma_start3A_513] : memref<100000x128xf32, #tpu.memory_space<hbm>> -> memref<256x128xf32, #tpu.memory_space<hbm>>
      %dma_start3A_515 = arith.constant 0 : i32
      %dma_start3A_516 = tpu.memref_slice %arg2[%multiple_of3A_96, %dma_start3A_515] : memref<100000x128xf32, #tpu.memory_space<hbm>> -> memref<256x128xf32, #tpu.memory_space<hbm>>
      tpu.enqueue_dma source(%dma_start3A_516 : memref<256x128xf32, #tpu.memory_space<hbm>>) target(%arg5 : memref<256x128xf32, #tpu.memory_space<vmem>>) target_semaphore(%arg8 : memref<!tpu.dma_semaphore, #tpu.memory_space<semaphore_mem>>)
    } else {
    }
    %add3A_107 = arith.constant 64 : i32
    %add3A_108 = arith.addi %add3A, %add3A_107 : i32
    %min3A_109 = arith.constant 390 : i32
    %min3A_110 = arith.minsi %add3A_108, %min3A_109 : i32
    %mul3A_111 = arith.constant 256 : i32
    %mul3A_112 = arith.muli %min3A_110, %mul3A_111 : i32
    %min3A_113 = arith.constant 99744 : i32
    %min3A_114 = arith.minsi %mul3A_112, %min3A_113 : i32
    %multiple_of3A_115 = tpu.assume_multiple %min3A_114, 8 : i32
    %dma_wait3A_116 = arith.constant 0 : i32
    %dma_wait3A_117 = tpu.memref_slice %arg2[%multiple_of3A_115, %dma_wait3A_116] : memref<100000x128xf32, #tpu.memory_space<hbm>> -> memref<256x128xf32, #tpu.memory_space<hbm>>
    %dma_wait3A_118 = arith.constant 0 : i32
    %dma_wait3A_119 = tpu.memref_slice %arg2[%multiple_of3A_115, %dma_wait3A_118] : memref<100000x128xf32, #tpu.memory_space<hbm>> -> memref<256x128xf32, #tpu.memory_space<hbm>>
    tpu.wait_dma2 semaphore(%arg10 : memref<!tpu.dma_semaphore, #tpu.memory_space<semaphore_mem>>) src(%dma_wait3A_119 : memref<256x128xf32, #tpu.memory_space<hbm>>) dst(%arg7 : memref<256x128xf32, #tpu.memory_space<vmem>>)
    %dma_start3A_120 = arith.constant 0 : i32
    %dma_start3A_121 = tpu.memref_slice %arg4[%multiple_of3A_115, %dma_start3A_120] : memref<100000x128xf32, #tpu.memory_space<hbm>> -> memref<256x128xf32, #tpu.memory_space<hbm>>
    %dma_start3A_122 = arith.constant 0 : i32
    %dma_start3A_123 = tpu.memref_slice %arg4[%multiple_of3A_115, %dma_start3A_122] : memref<100000x128xf32, #tpu.memory_space<hbm>> -> memref<256x128xf32, #tpu.memory_space<hbm>>
    tpu.enqueue_dma source(%arg7 : memref<256x128xf32, #tpu.memory_space<vmem>>) target(%dma_start3A_123 : memref<256x128xf32, #tpu.memory_space<hbm>>) target_semaphore(%arg13 : memref<!tpu.dma_semaphore, #tpu.memory_space<semaphore_mem>>)
    %dma_wait3A_124 = arith.constant 0 : i32
    %dma_wait3A_125 = tpu.memref_slice %arg4[%multiple_of3A_75, %dma_wait3A_124] : memref<100000x128xf32, #tpu.memory_space<hbm>> -> memref<256x128xf32, #tpu.memory_space<hbm>>
    %dma_wait3A_126 = arith.constant 0 : i32
    %dma_wait3A_127 = tpu.memref_slice %arg4[%multiple_of3A_75, %dma_wait3A_126] : memref<100000x128xf32, #tpu.memory_space<hbm>> -> memref<256x128xf32, #tpu.memory_space<hbm>>
    tpu.wait_dma2 semaphore(%arg12 : memref<!tpu.dma_semaphore, #tpu.memory_space<semaphore_mem>>) src(%arg6 : memref<256x128xf32, #tpu.memory_space<vmem>>) dst(%dma_wait3A_127 : memref<256x128xf32, #tpu.memory_space<hbm>>)
    %add3A_128 = arith.constant 128 : i32
    %add3A_129 = arith.addi %add3A, %add3A_128 : i32
    %min3A_130 = arith.constant 390 : i32
    %min3A_131 = arith.minsi %add3A_129, %min3A_130 : i32
    %mul3A_132 = arith.constant 256 : i32
    %mul3A_133 = arith.muli %min3A_131, %mul3A_132 : i32
    %min3A_134 = arith.constant 99744 : i32
    %min3A_135 = arith.minsi %mul3A_133, %min3A_134 : i32
    %multiple_of3A_136 = tpu.assume_multiple %min3A_135, 8 : i32
    %lt3A_137 = arith.constant 64 : i32
    %lt3A_138 = arith.cmpi slt, %min3A_131, %lt3A_137 : i32
    %convert_element_type3A_139 = arith.extui %lt3A_138 : i1 to i32
    %cond3A_140 = arith.constant 0 : i32
    %cond3A_141 = arith.cmpi ne, %convert_element_type3A_139, %cond3A_140 : i32
    scf.if %cond3A_141 {
      %dma_start3A_513 = arith.constant 0 : i32
      %dma_start3A_514 = tpu.memref_slice %arg3[%multiple_of3A_136, %dma_start3A_513] : memref<16384x128xf32, #tpu.memory_space<hbm>> -> memref<256x128xf32, #tpu.memory_space<hbm>>
      %dma_start3A_515 = arith.constant 0 : i32
      %dma_start3A_516 = tpu.memref_slice %arg3[%multiple_of3A_136, %dma_start3A_515] : memref<16384x128xf32, #tpu.memory_space<hbm>> -> memref<256x128xf32, #tpu.memory_space<hbm>>
      tpu.enqueue_dma source(%dma_start3A_516 : memref<256x128xf32, #tpu.memory_space<hbm>>) target(%arg6 : memref<256x128xf32, #tpu.memory_space<vmem>>) target_semaphore(%arg9 : memref<!tpu.dma_semaphore, #tpu.memory_space<semaphore_mem>>)
    } else {
    }
    %ge3A_142 = arith.constant 64 : i32
    %ge3A_143 = arith.cmpi sge, %min3A_131, %ge3A_142 : i32
    %convert_element_type3A_144 = arith.extui %ge3A_143 : i1 to i32
    %cond3A_145 = arith.constant 0 : i32
    %cond3A_146 = arith.cmpi ne, %convert_element_type3A_144, %cond3A_145 : i32
    scf.if %cond3A_146 {
      %dma_start3A_513 = arith.constant 0 : i32
      %dma_start3A_514 = tpu.memref_slice %arg2[%multiple_of3A_136, %dma_start3A_513] : memref<100000x128xf32, #tpu.memory_space<hbm>> -> memref<256x128xf32, #tpu.memory_space<hbm>>
      %dma_start3A_515 = arith.constant 0 : i32
      %dma_start3A_516 = tpu.memref_slice %arg2[%multiple_of3A_136, %dma_start3A_515] : memref<100000x128xf32, #tpu.memory_space<hbm>> -> memref<256x128xf32, #tpu.memory_space<hbm>>
      tpu.enqueue_dma source(%dma_start3A_516 : memref<256x128xf32, #tpu.memory_space<hbm>>) target(%arg6 : memref<256x128xf32, #tpu.memory_space<vmem>>) target_semaphore(%arg9 : memref<!tpu.dma_semaphore, #tpu.memory_space<semaphore_mem>>)
    } else {
    }
    %add3A_147 = arith.constant 96 : i32
    %add3A_148 = arith.addi %add3A, %add3A_147 : i32
    %min3A_149 = arith.constant 390 : i32
    %min3A_150 = arith.minsi %add3A_148, %min3A_149 : i32
    %mul3A_151 = arith.constant 256 : i32
    %mul3A_152 = arith.muli %min3A_150, %mul3A_151 : i32
    %min3A_153 = arith.constant 99744 : i32
    %min3A_154 = arith.minsi %mul3A_152, %min3A_153 : i32
    %multiple_of3A_155 = tpu.assume_multiple %min3A_154, 8 : i32
    %dma_wait3A_156 = arith.constant 0 : i32
    %dma_wait3A_157 = tpu.memref_slice %arg2[%multiple_of3A_155, %dma_wait3A_156] : memref<100000x128xf32, #tpu.memory_space<hbm>> -> memref<256x128xf32, #tpu.memory_space<hbm>>
    %dma_wait3A_158 = arith.constant 0 : i32
    %dma_wait3A_159 = tpu.memref_slice %arg2[%multiple_of3A_155, %dma_wait3A_158] : memref<100000x128xf32, #tpu.memory_space<hbm>> -> memref<256x128xf32, #tpu.memory_space<hbm>>
    tpu.wait_dma2 semaphore(%arg8 : memref<!tpu.dma_semaphore, #tpu.memory_space<semaphore_mem>>) src(%dma_wait3A_159 : memref<256x128xf32, #tpu.memory_space<hbm>>) dst(%arg5 : memref<256x128xf32, #tpu.memory_space<vmem>>)
    %dma_start3A_160 = arith.constant 0 : i32
    %dma_start3A_161 = tpu.memref_slice %arg4[%multiple_of3A_155, %dma_start3A_160] : memref<100000x128xf32, #tpu.memory_space<hbm>> -> memref<256x128xf32, #tpu.memory_space<hbm>>
    %dma_start3A_162 = arith.constant 0 : i32
    %dma_start3A_163 = tpu.memref_slice %arg4[%multiple_of3A_155, %dma_start3A_162] : memref<100000x128xf32, #tpu.memory_space<hbm>> -> memref<256x128xf32, #tpu.memory_space<hbm>>
    tpu.enqueue_dma source(%arg5 : memref<256x128xf32, #tpu.memory_space<vmem>>) target(%dma_start3A_163 : memref<256x128xf32, #tpu.memory_space<hbm>>) target_semaphore(%arg11 : memref<!tpu.dma_semaphore, #tpu.memory_space<semaphore_mem>>)
    %dma_wait3A_164 = arith.constant 0 : i32
    %dma_wait3A_165 = tpu.memref_slice %arg4[%multiple_of3A_115, %dma_wait3A_164] : memref<100000x128xf32, #tpu.memory_space<hbm>> -> memref<256x128xf32, #tpu.memory_space<hbm>>
    %dma_wait3A_166 = arith.constant 0 : i32
    %dma_wait3A_167 = tpu.memref_slice %arg4[%multiple_of3A_115, %dma_wait3A_166] : memref<100000x128xf32, #tpu.memory_space<hbm>> -> memref<256x128xf32, #tpu.memory_space<hbm>>
    tpu.wait_dma2 semaphore(%arg13 : memref<!tpu.dma_semaphore, #tpu.memory_space<semaphore_mem>>) src(%arg7 : memref<256x128xf32, #tpu.memory_space<vmem>>) dst(%dma_wait3A_167 : memref<256x128xf32, #tpu.memory_space<hbm>>)
    %add3A_168 = arith.constant 160 : i32
    %add3A_169 = arith.addi %add3A, %add3A_168 : i32
    %min3A_170 = arith.constant 390 : i32
    %min3A_171 = arith.minsi %add3A_169, %min3A_170 : i32
    %mul3A_172 = arith.constant 256 : i32
    %mul3A_173 = arith.muli %min3A_171, %mul3A_172 : i32
    %min3A_174 = arith.constant 99744 : i32
    %min3A_175 = arith.minsi %mul3A_173, %min3A_174 : i32
    %multiple_of3A_176 = tpu.assume_multiple %min3A_175, 8 : i32
    %lt3A_177 = arith.constant 64 : i32
    %lt3A_178 = arith.cmpi slt, %min3A_171, %lt3A_177 : i32
    %convert_element_type3A_179 = arith.extui %lt3A_178 : i1 to i32
    %cond3A_180 = arith.constant 0 : i32
    %cond3A_181 = arith.cmpi ne, %convert_element_type3A_179, %cond3A_180 : i32
    scf.if %cond3A_181 {
      %dma_start3A_513 = arith.constant 0 : i32
      %dma_start3A_514 = tpu.memref_slice %arg3[%multiple_of3A_176, %dma_start3A_513] : memref<16384x128xf32, #tpu.memory_space<hbm>> -> memref<256x128xf32, #tpu.memory_space<hbm>>
      %dma_start3A_515 = arith.constant 0 : i32
      %dma_start3A_516 = tpu.memref_slice %arg3[%multiple_of3A_176, %dma_start3A_515] : memref<16384x128xf32, #tpu.memory_space<hbm>> -> memref<256x128xf32, #tpu.memory_space<hbm>>
      tpu.enqueue_dma source(%dma_start3A_516 : memref<256x128xf32, #tpu.memory_space<hbm>>) target(%arg7 : memref<256x128xf32, #tpu.memory_space<vmem>>) target_semaphore(%arg10 : memref<!tpu.dma_semaphore, #tpu.memory_space<semaphore_mem>>)
    } else {
    }
    %ge3A_182 = arith.constant 64 : i32
    %ge3A_183 = arith.cmpi sge, %min3A_171, %ge3A_182 : i32
    %convert_element_type3A_184 = arith.extui %ge3A_183 : i1 to i32
    %cond3A_185 = arith.constant 0 : i32
    %cond3A_186 = arith.cmpi ne, %convert_element_type3A_184, %cond3A_185 : i32
    scf.if %cond3A_186 {
      %dma_start3A_513 = arith.constant 0 : i32
      %dma_start3A_514 = tpu.memref_slice %arg2[%multiple_of3A_176, %dma_start3A_513] : memref<100000x128xf32, #tpu.memory_space<hbm>> -> memref<256x128xf32, #tpu.memory_space<hbm>>
      %dma_start3A_515 = arith.constant 0 : i32
      %dma_start3A_516 = tpu.memref_slice %arg2[%multiple_of3A_176, %dma_start3A_515] : memref<100000x128xf32, #tpu.memory_space<hbm>> -> memref<256x128xf32, #tpu.memory_space<hbm>>
      tpu.enqueue_dma source(%dma_start3A_516 : memref<256x128xf32, #tpu.memory_space<hbm>>) target(%arg7 : memref<256x128xf32, #tpu.memory_space<vmem>>) target_semaphore(%arg10 : memref<!tpu.dma_semaphore, #tpu.memory_space<semaphore_mem>>)
    } else {
    }
    %add3A_187 = arith.constant 128 : i32
    %add3A_188 = arith.addi %add3A, %add3A_187 : i32
    %min3A_189 = arith.constant 390 : i32
    %min3A_190 = arith.minsi %add3A_188, %min3A_189 : i32
    %mul3A_191 = arith.constant 256 : i32
    %mul3A_192 = arith.muli %min3A_190, %mul3A_191 : i32
    %min3A_193 = arith.constant 99744 : i32
    %min3A_194 = arith.minsi %mul3A_192, %min3A_193 : i32
    %multiple_of3A_195 = tpu.assume_multiple %min3A_194, 8 : i32
    %dma_wait3A_196 = arith.constant 0 : i32
    %dma_wait3A_197 = tpu.memref_slice %arg2[%multiple_of3A_195, %dma_wait3A_196] : memref<100000x128xf32, #tpu.memory_space<hbm>> -> memref<256x128xf32, #tpu.memory_space<hbm>>
    %dma_wait3A_198 = arith.constant 0 : i32
    %dma_wait3A_199 = tpu.memref_slice %arg2[%multiple_of3A_195, %dma_wait3A_198] : memref<100000x128xf32, #tpu.memory_space<hbm>> -> memref<256x128xf32, #tpu.memory_space<hbm>>
    tpu.wait_dma2 semaphore(%arg9 : memref<!tpu.dma_semaphore, #tpu.memory_space<semaphore_mem>>) src(%dma_wait3A_199 : memref<256x128xf32, #tpu.memory_space<hbm>>) dst(%arg6 : memref<256x128xf32, #tpu.memory_space<vmem>>)
    %dma_start3A_200 = arith.constant 0 : i32
    %dma_start3A_201 = tpu.memref_slice %arg4[%multiple_of3A_195, %dma_start3A_200] : memref<100000x128xf32, #tpu.memory_space<hbm>> -> memref<256x128xf32, #tpu.memory_space<hbm>>
    %dma_start3A_202 = arith.constant 0 : i32
    %dma_start3A_203 = tpu.memref_slice %arg4[%multiple_of3A_195, %dma_start3A_202] : memref<100000x128xf32, #tpu.memory_space<hbm>> -> memref<256x128xf32, #tpu.memory_space<hbm>>
    tpu.enqueue_dma source(%arg6 : memref<256x128xf32, #tpu.memory_space<vmem>>) target(%dma_start3A_203 : memref<256x128xf32, #tpu.memory_space<hbm>>) target_semaphore(%arg12 : memref<!tpu.dma_semaphore, #tpu.memory_space<semaphore_mem>>)
    %dma_wait3A_204 = arith.constant 0 : i32
    %dma_wait3A_205 = tpu.memref_slice %arg4[%multiple_of3A_155, %dma_wait3A_204] : memref<100000x128xf32, #tpu.memory_space<hbm>> -> memref<256x128xf32, #tpu.memory_space<hbm>>
    %dma_wait3A_206 = arith.constant 0 : i32
    %dma_wait3A_207 = tpu.memref_slice %arg4[%multiple_of3A_155, %dma_wait3A_206] : memref<100000x128xf32, #tpu.memory_space<hbm>> -> memref<256x128xf32, #tpu.memory_space<hbm>>
    tpu.wait_dma2 semaphore(%arg11 : memref<!tpu.dma_semaphore, #tpu.memory_space<semaphore_mem>>) src(%arg5 : memref<256x128xf32, #tpu.memory_space<vmem>>) dst(%dma_wait3A_207 : memref<256x128xf32, #tpu.memory_space<hbm>>)
    %add3A_208 = arith.constant 192 : i32
    %add3A_209 = arith.addi %add3A, %add3A_208 : i32
    %min3A_210 = arith.constant 390 : i32
    %min3A_211 = arith.minsi %add3A_209, %min3A_210 : i32
    %mul3A_212 = arith.constant 256 : i32
    %mul3A_213 = arith.muli %min3A_211, %mul3A_212 : i32
    %min3A_214 = arith.constant 99744 : i32
    %min3A_215 = arith.minsi %mul3A_213, %min3A_214 : i32
    %multiple_of3A_216 = tpu.assume_multiple %min3A_215, 8 : i32
    %lt3A_217 = arith.constant 64 : i32
    %lt3A_218 = arith.cmpi slt, %min3A_211, %lt3A_217 : i32
    %convert_element_type3A_219 = arith.extui %lt3A_218 : i1 to i32
    %cond3A_220 = arith.constant 0 : i32
    %cond3A_221 = arith.cmpi ne, %convert_element_type3A_219, %cond3A_220 : i32
    scf.if %cond3A_221 {
      %dma_start3A_513 = arith.constant 0 : i32
      %dma_start3A_514 = tpu.memref_slice %arg3[%multiple_of3A_216, %dma_start3A_513] : memref<16384x128xf32, #tpu.memory_space<hbm>> -> memref<256x128xf32, #tpu.memory_space<hbm>>
      %dma_start3A_515 = arith.constant 0 : i32
      %dma_start3A_516 = tpu.memref_slice %arg3[%multiple_of3A_216, %dma_start3A_515] : memref<16384x128xf32, #tpu.memory_space<hbm>> -> memref<256x128xf32, #tpu.memory_space<hbm>>
      tpu.enqueue_dma source(%dma_start3A_516 : memref<256x128xf32, #tpu.memory_space<hbm>>) target(%arg5 : memref<256x128xf32, #tpu.memory_space<vmem>>) target_semaphore(%arg8 : memref<!tpu.dma_semaphore, #tpu.memory_space<semaphore_mem>>)
    } else {
    }
    %ge3A_222 = arith.constant 64 : i32
    %ge3A_223 = arith.cmpi sge, %min3A_211, %ge3A_222 : i32
    %convert_element_type3A_224 = arith.extui %ge3A_223 : i1 to i32
    %cond3A_225 = arith.constant 0 : i32
    %cond3A_226 = arith.cmpi ne, %convert_element_type3A_224, %cond3A_225 : i32
    scf.if %cond3A_226 {
      %dma_start3A_513 = arith.constant 0 : i32
      %dma_start3A_514 = tpu.memref_slice %arg2[%multiple_of3A_216, %dma_start3A_513] : memref<100000x128xf32, #tpu.memory_space<hbm>> -> memref<256x128xf32, #tpu.memory_space<hbm>>
      %dma_start3A_515 = arith.constant 0 : i32
      %dma_start3A_516 = tpu.memref_slice %arg2[%multiple_of3A_216, %dma_start3A_515] : memref<100000x128xf32, #tpu.memory_space<hbm>> -> memref<256x128xf32, #tpu.memory_space<hbm>>
      tpu.enqueue_dma source(%dma_start3A_516 : memref<256x128xf32, #tpu.memory_space<hbm>>) target(%arg5 : memref<256x128xf32, #tpu.memory_space<vmem>>) target_semaphore(%arg8 : memref<!tpu.dma_semaphore, #tpu.memory_space<semaphore_mem>>)
    } else {
    }
    %add3A_227 = arith.constant 160 : i32
    %add3A_228 = arith.addi %add3A, %add3A_227 : i32
    %min3A_229 = arith.constant 390 : i32
    %min3A_230 = arith.minsi %add3A_228, %min3A_229 : i32
    %mul3A_231 = arith.constant 256 : i32
    %mul3A_232 = arith.muli %min3A_230, %mul3A_231 : i32
    %min3A_233 = arith.constant 99744 : i32
    %min3A_234 = arith.minsi %mul3A_232, %min3A_233 : i32
    %multiple_of3A_235 = tpu.assume_multiple %min3A_234, 8 : i32
    %dma_wait3A_236 = arith.constant 0 : i32
    %dma_wait3A_237 = tpu.memref_slice %arg2[%multiple_of3A_235, %dma_wait3A_236] : memref<100000x128xf32, #tpu.memory_space<hbm>> -> memref<256x128xf32, #tpu.memory_space<hbm>>
    %dma_wait3A_238 = arith.constant 0 : i32
    %dma_wait3A_239 = tpu.memref_slice %arg2[%multiple_of3A_235, %dma_wait3A_238] : memref<100000x128xf32, #tpu.memory_space<hbm>> -> memref<256x128xf32, #tpu.memory_space<hbm>>
    tpu.wait_dma2 semaphore(%arg10 : memref<!tpu.dma_semaphore, #tpu.memory_space<semaphore_mem>>) src(%dma_wait3A_239 : memref<256x128xf32, #tpu.memory_space<hbm>>) dst(%arg7 : memref<256x128xf32, #tpu.memory_space<vmem>>)
    %dma_start3A_240 = arith.constant 0 : i32
    %dma_start3A_241 = tpu.memref_slice %arg4[%multiple_of3A_235, %dma_start3A_240] : memref<100000x128xf32, #tpu.memory_space<hbm>> -> memref<256x128xf32, #tpu.memory_space<hbm>>
    %dma_start3A_242 = arith.constant 0 : i32
    %dma_start3A_243 = tpu.memref_slice %arg4[%multiple_of3A_235, %dma_start3A_242] : memref<100000x128xf32, #tpu.memory_space<hbm>> -> memref<256x128xf32, #tpu.memory_space<hbm>>
    tpu.enqueue_dma source(%arg7 : memref<256x128xf32, #tpu.memory_space<vmem>>) target(%dma_start3A_243 : memref<256x128xf32, #tpu.memory_space<hbm>>) target_semaphore(%arg13 : memref<!tpu.dma_semaphore, #tpu.memory_space<semaphore_mem>>)
    %dma_wait3A_244 = arith.constant 0 : i32
    %dma_wait3A_245 = tpu.memref_slice %arg4[%multiple_of3A_195, %dma_wait3A_244] : memref<100000x128xf32, #tpu.memory_space<hbm>> -> memref<256x128xf32, #tpu.memory_space<hbm>>
    %dma_wait3A_246 = arith.constant 0 : i32
    %dma_wait3A_247 = tpu.memref_slice %arg4[%multiple_of3A_195, %dma_wait3A_246] : memref<100000x128xf32, #tpu.memory_space<hbm>> -> memref<256x128xf32, #tpu.memory_space<hbm>>
    tpu.wait_dma2 semaphore(%arg12 : memref<!tpu.dma_semaphore, #tpu.memory_space<semaphore_mem>>) src(%arg6 : memref<256x128xf32, #tpu.memory_space<vmem>>) dst(%dma_wait3A_247 : memref<256x128xf32, #tpu.memory_space<hbm>>)
    %add3A_248 = arith.constant 224 : i32
    %add3A_249 = arith.addi %add3A, %add3A_248 : i32
    %min3A_250 = arith.constant 390 : i32
    %min3A_251 = arith.minsi %add3A_249, %min3A_250 : i32
    %mul3A_252 = arith.constant 256 : i32
    %mul3A_253 = arith.muli %min3A_251, %mul3A_252 : i32
    %min3A_254 = arith.constant 99744 : i32
    %min3A_255 = arith.minsi %mul3A_253, %min3A_254 : i32
    %multiple_of3A_256 = tpu.assume_multiple %min3A_255, 8 : i32
    %lt3A_257 = arith.constant 64 : i32
    %lt3A_258 = arith.cmpi slt, %min3A_251, %lt3A_257 : i32
    %convert_element_type3A_259 = arith.extui %lt3A_258 : i1 to i32
    %cond3A_260 = arith.constant 0 : i32
    %cond3A_261 = arith.cmpi ne, %convert_element_type3A_259, %cond3A_260 : i32
    scf.if %cond3A_261 {
      %dma_start3A_513 = arith.constant 0 : i32
      %dma_start3A_514 = tpu.memref_slice %arg3[%multiple_of3A_256, %dma_start3A_513] : memref<16384x128xf32, #tpu.memory_space<hbm>> -> memref<256x128xf32, #tpu.memory_space<hbm>>
      %dma_start3A_515 = arith.constant 0 : i32
      %dma_start3A_516 = tpu.memref_slice %arg3[%multiple_of3A_256, %dma_start3A_515] : memref<16384x128xf32, #tpu.memory_space<hbm>> -> memref<256x128xf32, #tpu.memory_space<hbm>>
      tpu.enqueue_dma source(%dma_start3A_516 : memref<256x128xf32, #tpu.memory_space<hbm>>) target(%arg6 : memref<256x128xf32, #tpu.memory_space<vmem>>) target_semaphore(%arg9 : memref<!tpu.dma_semaphore, #tpu.memory_space<semaphore_mem>>)
    } else {
    }
    %ge3A_262 = arith.constant 64 : i32
    %ge3A_263 = arith.cmpi sge, %min3A_251, %ge3A_262 : i32
    %convert_element_type3A_264 = arith.extui %ge3A_263 : i1 to i32
    %cond3A_265 = arith.constant 0 : i32
    %cond3A_266 = arith.cmpi ne, %convert_element_type3A_264, %cond3A_265 : i32
    scf.if %cond3A_266 {
      %dma_start3A_513 = arith.constant 0 : i32
      %dma_start3A_514 = tpu.memref_slice %arg2[%multiple_of3A_256, %dma_start3A_513] : memref<100000x128xf32, #tpu.memory_space<hbm>> -> memref<256x128xf32, #tpu.memory_space<hbm>>
      %dma_start3A_515 = arith.constant 0 : i32
      %dma_start3A_516 = tpu.memref_slice %arg2[%multiple_of3A_256, %dma_start3A_515] : memref<100000x128xf32, #tpu.memory_space<hbm>> -> memref<256x128xf32, #tpu.memory_space<hbm>>
      tpu.enqueue_dma source(%dma_start3A_516 : memref<256x128xf32, #tpu.memory_space<hbm>>) target(%arg6 : memref<256x128xf32, #tpu.memory_space<vmem>>) target_semaphore(%arg9 : memref<!tpu.dma_semaphore, #tpu.memory_space<semaphore_mem>>)
    } else {
    }
    %add3A_267 = arith.constant 192 : i32
    %add3A_268 = arith.addi %add3A, %add3A_267 : i32
    %min3A_269 = arith.constant 390 : i32
    %min3A_270 = arith.minsi %add3A_268, %min3A_269 : i32
    %mul3A_271 = arith.constant 256 : i32
    %mul3A_272 = arith.muli %min3A_270, %mul3A_271 : i32
    %min3A_273 = arith.constant 99744 : i32
    %min3A_274 = arith.minsi %mul3A_272, %min3A_273 : i32
    %multiple_of3A_275 = tpu.assume_multiple %min3A_274, 8 : i32
    %dma_wait3A_276 = arith.constant 0 : i32
    %dma_wait3A_277 = tpu.memref_slice %arg2[%multiple_of3A_275, %dma_wait3A_276] : memref<100000x128xf32, #tpu.memory_space<hbm>> -> memref<256x128xf32, #tpu.memory_space<hbm>>
    %dma_wait3A_278 = arith.constant 0 : i32
    %dma_wait3A_279 = tpu.memref_slice %arg2[%multiple_of3A_275, %dma_wait3A_278] : memref<100000x128xf32, #tpu.memory_space<hbm>> -> memref<256x128xf32, #tpu.memory_space<hbm>>
    tpu.wait_dma2 semaphore(%arg8 : memref<!tpu.dma_semaphore, #tpu.memory_space<semaphore_mem>>) src(%dma_wait3A_279 : memref<256x128xf32, #tpu.memory_space<hbm>>) dst(%arg5 : memref<256x128xf32, #tpu.memory_space<vmem>>)
    %dma_start3A_280 = arith.constant 0 : i32
    %dma_start3A_281 = tpu.memref_slice %arg4[%multiple_of3A_275, %dma_start3A_280] : memref<100000x128xf32, #tpu.memory_space<hbm>> -> memref<256x128xf32, #tpu.memory_space<hbm>>
    %dma_start3A_282 = arith.constant 0 : i32
    %dma_start3A_283 = tpu.memref_slice %arg4[%multiple_of3A_275, %dma_start3A_282] : memref<100000x128xf32, #tpu.memory_space<hbm>> -> memref<256x128xf32, #tpu.memory_space<hbm>>
    tpu.enqueue_dma source(%arg5 : memref<256x128xf32, #tpu.memory_space<vmem>>) target(%dma_start3A_283 : memref<256x128xf32, #tpu.memory_space<hbm>>) target_semaphore(%arg11 : memref<!tpu.dma_semaphore, #tpu.memory_space<semaphore_mem>>)
    %dma_wait3A_284 = arith.constant 0 : i32
    %dma_wait3A_285 = tpu.memref_slice %arg4[%multiple_of3A_235, %dma_wait3A_284] : memref<100000x128xf32, #tpu.memory_space<hbm>> -> memref<256x128xf32, #tpu.memory_space<hbm>>
    %dma_wait3A_286 = arith.constant 0 : i32
    %dma_wait3A_287 = tpu.memref_slice %arg4[%multiple_of3A_235, %dma_wait3A_286] : memref<100000x128xf32, #tpu.memory_space<hbm>> -> memref<256x128xf32, #tpu.memory_space<hbm>>
    tpu.wait_dma2 semaphore(%arg13 : memref<!tpu.dma_semaphore, #tpu.memory_space<semaphore_mem>>) src(%arg7 : memref<256x128xf32, #tpu.memory_space<vmem>>) dst(%dma_wait3A_287 : memref<256x128xf32, #tpu.memory_space<hbm>>)
    %add3A_288 = arith.constant 256 : i32
    %add3A_289 = arith.addi %add3A, %add3A_288 : i32
    %min3A_290 = arith.constant 390 : i32
    %min3A_291 = arith.minsi %add3A_289, %min3A_290 : i32
    %mul3A_292 = arith.constant 256 : i32
    %mul3A_293 = arith.muli %min3A_291, %mul3A_292 : i32
    %min3A_294 = arith.constant 99744 : i32
    %min3A_295 = arith.minsi %mul3A_293, %min3A_294 : i32
    %multiple_of3A_296 = tpu.assume_multiple %min3A_295, 8 : i32
    %lt3A_297 = arith.constant 64 : i32
    %lt3A_298 = arith.cmpi slt, %min3A_291, %lt3A_297 : i32
    %convert_element_type3A_299 = arith.extui %lt3A_298 : i1 to i32
    %cond3A_300 = arith.constant 0 : i32
    %cond3A_301 = arith.cmpi ne, %convert_element_type3A_299, %cond3A_300 : i32
    scf.if %cond3A_301 {
      %dma_start3A_513 = arith.constant 0 : i32
      %dma_start3A_514 = tpu.memref_slice %arg3[%multiple_of3A_296, %dma_start3A_513] : memref<16384x128xf32, #tpu.memory_space<hbm>> -> memref<256x128xf32, #tpu.memory_space<hbm>>
      %dma_start3A_515 = arith.constant 0 : i32
      %dma_start3A_516 = tpu.memref_slice %arg3[%multiple_of3A_296, %dma_start3A_515] : memref<16384x128xf32, #tpu.memory_space<hbm>> -> memref<256x128xf32, #tpu.memory_space<hbm>>
      tpu.enqueue_dma source(%dma_start3A_516 : memref<256x128xf32, #tpu.memory_space<hbm>>) target(%arg7 : memref<256x128xf32, #tpu.memory_space<vmem>>) target_semaphore(%arg10 : memref<!tpu.dma_semaphore, #tpu.memory_space<semaphore_mem>>)
    } else {
    }
    %ge3A_302 = arith.constant 64 : i32
    %ge3A_303 = arith.cmpi sge, %min3A_291, %ge3A_302 : i32
    %convert_element_type3A_304 = arith.extui %ge3A_303 : i1 to i32
    %cond3A_305 = arith.constant 0 : i32
    %cond3A_306 = arith.cmpi ne, %convert_element_type3A_304, %cond3A_305 : i32
    scf.if %cond3A_306 {
      %dma_start3A_513 = arith.constant 0 : i32
      %dma_start3A_514 = tpu.memref_slice %arg2[%multiple_of3A_296, %dma_start3A_513] : memref<100000x128xf32, #tpu.memory_space<hbm>> -> memref<256x128xf32, #tpu.memory_space<hbm>>
      %dma_start3A_515 = arith.constant 0 : i32
      %dma_start3A_516 = tpu.memref_slice %arg2[%multiple_of3A_296, %dma_start3A_515] : memref<100000x128xf32, #tpu.memory_space<hbm>> -> memref<256x128xf32, #tpu.memory_space<hbm>>
      tpu.enqueue_dma source(%dma_start3A_516 : memref<256x128xf32, #tpu.memory_space<hbm>>) target(%arg7 : memref<256x128xf32, #tpu.memory_space<vmem>>) target_semaphore(%arg10 : memref<!tpu.dma_semaphore, #tpu.memory_space<semaphore_mem>>)
    } else {
    }
    %add3A_307 = arith.constant 224 : i32
    %add3A_308 = arith.addi %add3A, %add3A_307 : i32
    %min3A_309 = arith.constant 390 : i32
    %min3A_310 = arith.minsi %add3A_308, %min3A_309 : i32
    %mul3A_311 = arith.constant 256 : i32
    %mul3A_312 = arith.muli %min3A_310, %mul3A_311 : i32
    %min3A_313 = arith.constant 99744 : i32
    %min3A_314 = arith.minsi %mul3A_312, %min3A_313 : i32
    %multiple_of3A_315 = tpu.assume_multiple %min3A_314, 8 : i32
    %dma_wait3A_316 = arith.constant 0 : i32
    %dma_wait3A_317 = tpu.memref_slice %arg2[%multiple_of3A_315, %dma_wait3A_316] : memref<100000x128xf32, #tpu.memory_space<hbm>> -> memref<256x128xf32, #tpu.memory_space<hbm>>
    %dma_wait3A_318 = arith.constant 0 : i32
    %dma_wait3A_319 = tpu.memref_slice %arg2[%multiple_of3A_315, %dma_wait3A_318] : memref<100000x128xf32, #tpu.memory_space<hbm>> -> memref<256x128xf32, #tpu.memory_space<hbm>>
    tpu.wait_dma2 semaphore(%arg9 : memref<!tpu.dma_semaphore, #tpu.memory_space<semaphore_mem>>) src(%dma_wait3A_319 : memref<256x128xf32, #tpu.memory_space<hbm>>) dst(%arg6 : memref<256x128xf32, #tpu.memory_space<vmem>>)
    %dma_start3A_320 = arith.constant 0 : i32
    %dma_start3A_321 = tpu.memref_slice %arg4[%multiple_of3A_315, %dma_start3A_320] : memref<100000x128xf32, #tpu.memory_space<hbm>> -> memref<256x128xf32, #tpu.memory_space<hbm>>
    %dma_start3A_322 = arith.constant 0 : i32
    %dma_start3A_323 = tpu.memref_slice %arg4[%multiple_of3A_315, %dma_start3A_322] : memref<100000x128xf32, #tpu.memory_space<hbm>> -> memref<256x128xf32, #tpu.memory_space<hbm>>
    tpu.enqueue_dma source(%arg6 : memref<256x128xf32, #tpu.memory_space<vmem>>) target(%dma_start3A_323 : memref<256x128xf32, #tpu.memory_space<hbm>>) target_semaphore(%arg12 : memref<!tpu.dma_semaphore, #tpu.memory_space<semaphore_mem>>)
    %dma_wait3A_324 = arith.constant 0 : i32
    %dma_wait3A_325 = tpu.memref_slice %arg4[%multiple_of3A_275, %dma_wait3A_324] : memref<100000x128xf32, #tpu.memory_space<hbm>> -> memref<256x128xf32, #tpu.memory_space<hbm>>
    %dma_wait3A_326 = arith.constant 0 : i32
    %dma_wait3A_327 = tpu.memref_slice %arg4[%multiple_of3A_275, %dma_wait3A_326] : memref<100000x128xf32, #tpu.memory_space<hbm>> -> memref<256x128xf32, #tpu.memory_space<hbm>>
    tpu.wait_dma2 semaphore(%arg11 : memref<!tpu.dma_semaphore, #tpu.memory_space<semaphore_mem>>) src(%arg5 : memref<256x128xf32, #tpu.memory_space<vmem>>) dst(%dma_wait3A_327 : memref<256x128xf32, #tpu.memory_space<hbm>>)
    %add3A_328 = arith.constant 288 : i32
    %add3A_329 = arith.addi %add3A, %add3A_328 : i32
    %min3A_330 = arith.constant 390 : i32
    %min3A_331 = arith.minsi %add3A_329, %min3A_330 : i32
    %mul3A_332 = arith.constant 256 : i32
    %mul3A_333 = arith.muli %min3A_331, %mul3A_332 : i32
    %min3A_334 = arith.constant 99744 : i32
    %min3A_335 = arith.minsi %mul3A_333, %min3A_334 : i32
    %multiple_of3A_336 = tpu.assume_multiple %min3A_335, 8 : i32
    %lt3A_337 = arith.constant 64 : i32
    %lt3A_338 = arith.cmpi slt, %min3A_331, %lt3A_337 : i32
    %convert_element_type3A_339 = arith.extui %lt3A_338 : i1 to i32
    %cond3A_340 = arith.constant 0 : i32
    %cond3A_341 = arith.cmpi ne, %convert_element_type3A_339, %cond3A_340 : i32
    scf.if %cond3A_341 {
      %dma_start3A_513 = arith.constant 0 : i32
      %dma_start3A_514 = tpu.memref_slice %arg3[%multiple_of3A_336, %dma_start3A_513] : memref<16384x128xf32, #tpu.memory_space<hbm>> -> memref<256x128xf32, #tpu.memory_space<hbm>>
      %dma_start3A_515 = arith.constant 0 : i32
      %dma_start3A_516 = tpu.memref_slice %arg3[%multiple_of3A_336, %dma_start3A_515] : memref<16384x128xf32, #tpu.memory_space<hbm>> -> memref<256x128xf32, #tpu.memory_space<hbm>>
      tpu.enqueue_dma source(%dma_start3A_516 : memref<256x128xf32, #tpu.memory_space<hbm>>) target(%arg5 : memref<256x128xf32, #tpu.memory_space<vmem>>) target_semaphore(%arg8 : memref<!tpu.dma_semaphore, #tpu.memory_space<semaphore_mem>>)
    } else {
    }
    %ge3A_342 = arith.constant 64 : i32
    %ge3A_343 = arith.cmpi sge, %min3A_331, %ge3A_342 : i32
    %convert_element_type3A_344 = arith.extui %ge3A_343 : i1 to i32
    %cond3A_345 = arith.constant 0 : i32
    %cond3A_346 = arith.cmpi ne, %convert_element_type3A_344, %cond3A_345 : i32
    scf.if %cond3A_346 {
      %dma_start3A_513 = arith.constant 0 : i32
      %dma_start3A_514 = tpu.memref_slice %arg2[%multiple_of3A_336, %dma_start3A_513] : memref<100000x128xf32, #tpu.memory_space<hbm>> -> memref<256x128xf32, #tpu.memory_space<hbm>>
      %dma_start3A_515 = arith.constant 0 : i32
      %dma_start3A_516 = tpu.memref_slice %arg2[%multiple_of3A_336, %dma_start3A_515] : memref<100000x128xf32, #tpu.memory_space<hbm>> -> memref<256x128xf32, #tpu.memory_space<hbm>>
      tpu.enqueue_dma source(%dma_start3A_516 : memref<256x128xf32, #tpu.memory_space<hbm>>) target(%arg5 : memref<256x128xf32, #tpu.memory_space<vmem>>) target_semaphore(%arg8 : memref<!tpu.dma_semaphore, #tpu.memory_space<semaphore_mem>>)
    } else {
    }
    %add3A_347 = arith.constant 256 : i32
    %add3A_348 = arith.addi %add3A, %add3A_347 : i32
    %min3A_349 = arith.constant 390 : i32
    %min3A_350 = arith.minsi %add3A_348, %min3A_349 : i32
    %mul3A_351 = arith.constant 256 : i32
    %mul3A_352 = arith.muli %min3A_350, %mul3A_351 : i32
    %min3A_353 = arith.constant 99744 : i32
    %min3A_354 = arith.minsi %mul3A_352, %min3A_353 : i32
    %multiple_of3A_355 = tpu.assume_multiple %min3A_354, 8 : i32
    %dma_wait3A_356 = arith.constant 0 : i32
    %dma_wait3A_357 = tpu.memref_slice %arg2[%multiple_of3A_355, %dma_wait3A_356] : memref<100000x128xf32, #tpu.memory_space<hbm>> -> memref<256x128xf32, #tpu.memory_space<hbm>>
    %dma_wait3A_358 = arith.constant 0 : i32
    %dma_wait3A_359 = tpu.memref_slice %arg2[%multiple_of3A_355, %dma_wait3A_358] : memref<100000x128xf32, #tpu.memory_space<hbm>> -> memref<256x128xf32, #tpu.memory_space<hbm>>
    tpu.wait_dma2 semaphore(%arg10 : memref<!tpu.dma_semaphore, #tpu.memory_space<semaphore_mem>>) src(%dma_wait3A_359 : memref<256x128xf32, #tpu.memory_space<hbm>>) dst(%arg7 : memref<256x128xf32, #tpu.memory_space<vmem>>)
    %dma_start3A_360 = arith.constant 0 : i32
    %dma_start3A_361 = tpu.memref_slice %arg4[%multiple_of3A_355, %dma_start3A_360] : memref<100000x128xf32, #tpu.memory_space<hbm>> -> memref<256x128xf32, #tpu.memory_space<hbm>>
    %dma_start3A_362 = arith.constant 0 : i32
    %dma_start3A_363 = tpu.memref_slice %arg4[%multiple_of3A_355, %dma_start3A_362] : memref<100000x128xf32, #tpu.memory_space<hbm>> -> memref<256x128xf32, #tpu.memory_space<hbm>>
    tpu.enqueue_dma source(%arg7 : memref<256x128xf32, #tpu.memory_space<vmem>>) target(%dma_start3A_363 : memref<256x128xf32, #tpu.memory_space<hbm>>) target_semaphore(%arg13 : memref<!tpu.dma_semaphore, #tpu.memory_space<semaphore_mem>>)
    %dma_wait3A_364 = arith.constant 0 : i32
    %dma_wait3A_365 = tpu.memref_slice %arg4[%multiple_of3A_315, %dma_wait3A_364] : memref<100000x128xf32, #tpu.memory_space<hbm>> -> memref<256x128xf32, #tpu.memory_space<hbm>>
    %dma_wait3A_366 = arith.constant 0 : i32
    %dma_wait3A_367 = tpu.memref_slice %arg4[%multiple_of3A_315, %dma_wait3A_366] : memref<100000x128xf32, #tpu.memory_space<hbm>> -> memref<256x128xf32, #tpu.memory_space<hbm>>
    tpu.wait_dma2 semaphore(%arg12 : memref<!tpu.dma_semaphore, #tpu.memory_space<semaphore_mem>>) src(%arg6 : memref<256x128xf32, #tpu.memory_space<vmem>>) dst(%dma_wait3A_367 : memref<256x128xf32, #tpu.memory_space<hbm>>)
    %add3A_368 = arith.constant 320 : i32
    %add3A_369 = arith.addi %add3A, %add3A_368 : i32
    %min3A_370 = arith.constant 390 : i32
    %min3A_371 = arith.minsi %add3A_369, %min3A_370 : i32
    %mul3A_372 = arith.constant 256 : i32
    %mul3A_373 = arith.muli %min3A_371, %mul3A_372 : i32
    %min3A_374 = arith.constant 99744 : i32
    %min3A_375 = arith.minsi %mul3A_373, %min3A_374 : i32
    %multiple_of3A_376 = tpu.assume_multiple %min3A_375, 8 : i32
    %lt3A_377 = arith.constant 64 : i32
    %lt3A_378 = arith.cmpi slt, %min3A_371, %lt3A_377 : i32
    %convert_element_type3A_379 = arith.extui %lt3A_378 : i1 to i32
    %cond3A_380 = arith.constant 0 : i32
    %cond3A_381 = arith.cmpi ne, %convert_element_type3A_379, %cond3A_380 : i32
    scf.if %cond3A_381 {
      %dma_start3A_513 = arith.constant 0 : i32
      %dma_start3A_514 = tpu.memref_slice %arg3[%multiple_of3A_376, %dma_start3A_513] : memref<16384x128xf32, #tpu.memory_space<hbm>> -> memref<256x128xf32, #tpu.memory_space<hbm>>
      %dma_start3A_515 = arith.constant 0 : i32
      %dma_start3A_516 = tpu.memref_slice %arg3[%multiple_of3A_376, %dma_start3A_515] : memref<16384x128xf32, #tpu.memory_space<hbm>> -> memref<256x128xf32, #tpu.memory_space<hbm>>
      tpu.enqueue_dma source(%dma_start3A_516 : memref<256x128xf32, #tpu.memory_space<hbm>>) target(%arg6 : memref<256x128xf32, #tpu.memory_space<vmem>>) target_semaphore(%arg9 : memref<!tpu.dma_semaphore, #tpu.memory_space<semaphore_mem>>)
    } else {
    }
    %ge3A_382 = arith.constant 64 : i32
    %ge3A_383 = arith.cmpi sge, %min3A_371, %ge3A_382 : i32
    %convert_element_type3A_384 = arith.extui %ge3A_383 : i1 to i32
    %cond3A_385 = arith.constant 0 : i32
    %cond3A_386 = arith.cmpi ne, %convert_element_type3A_384, %cond3A_385 : i32
    scf.if %cond3A_386 {
      %dma_start3A_513 = arith.constant 0 : i32
      %dma_start3A_514 = tpu.memref_slice %arg2[%multiple_of3A_376, %dma_start3A_513] : memref<100000x128xf32, #tpu.memory_space<hbm>> -> memref<256x128xf32, #tpu.memory_space<hbm>>
      %dma_start3A_515 = arith.constant 0 : i32
      %dma_start3A_516 = tpu.memref_slice %arg2[%multiple_of3A_376, %dma_start3A_515] : memref<100000x128xf32, #tpu.memory_space<hbm>> -> memref<256x128xf32, #tpu.memory_space<hbm>>
      tpu.enqueue_dma source(%dma_start3A_516 : memref<256x128xf32, #tpu.memory_space<hbm>>) target(%arg6 : memref<256x128xf32, #tpu.memory_space<vmem>>) target_semaphore(%arg9 : memref<!tpu.dma_semaphore, #tpu.memory_space<semaphore_mem>>)
    } else {
    }
    %add3A_387 = arith.constant 288 : i32
    %add3A_388 = arith.addi %add3A, %add3A_387 : i32
    %min3A_389 = arith.constant 390 : i32
    %min3A_390 = arith.minsi %add3A_388, %min3A_389 : i32
    %mul3A_391 = arith.constant 256 : i32
    %mul3A_392 = arith.muli %min3A_390, %mul3A_391 : i32
    %min3A_393 = arith.constant 99744 : i32
    %min3A_394 = arith.minsi %mul3A_392, %min3A_393 : i32
    %multiple_of3A_395 = tpu.assume_multiple %min3A_394, 8 : i32
    %dma_wait3A_396 = arith.constant 0 : i32
    %dma_wait3A_397 = tpu.memref_slice %arg2[%multiple_of3A_395, %dma_wait3A_396] : memref<100000x128xf32, #tpu.memory_space<hbm>> -> memref<256x128xf32, #tpu.memory_space<hbm>>
    %dma_wait3A_398 = arith.constant 0 : i32
    %dma_wait3A_399 = tpu.memref_slice %arg2[%multiple_of3A_395, %dma_wait3A_398] : memref<100000x128xf32, #tpu.memory_space<hbm>> -> memref<256x128xf32, #tpu.memory_space<hbm>>
    tpu.wait_dma2 semaphore(%arg8 : memref<!tpu.dma_semaphore, #tpu.memory_space<semaphore_mem>>) src(%dma_wait3A_399 : memref<256x128xf32, #tpu.memory_space<hbm>>) dst(%arg5 : memref<256x128xf32, #tpu.memory_space<vmem>>)
    %dma_start3A_400 = arith.constant 0 : i32
    %dma_start3A_401 = tpu.memref_slice %arg4[%multiple_of3A_395, %dma_start3A_400] : memref<100000x128xf32, #tpu.memory_space<hbm>> -> memref<256x128xf32, #tpu.memory_space<hbm>>
    %dma_start3A_402 = arith.constant 0 : i32
    %dma_start3A_403 = tpu.memref_slice %arg4[%multiple_of3A_395, %dma_start3A_402] : memref<100000x128xf32, #tpu.memory_space<hbm>> -> memref<256x128xf32, #tpu.memory_space<hbm>>
    tpu.enqueue_dma source(%arg5 : memref<256x128xf32, #tpu.memory_space<vmem>>) target(%dma_start3A_403 : memref<256x128xf32, #tpu.memory_space<hbm>>) target_semaphore(%arg11 : memref<!tpu.dma_semaphore, #tpu.memory_space<semaphore_mem>>)
    %dma_wait3A_404 = arith.constant 0 : i32
    %dma_wait3A_405 = tpu.memref_slice %arg4[%multiple_of3A_355, %dma_wait3A_404] : memref<100000x128xf32, #tpu.memory_space<hbm>> -> memref<256x128xf32, #tpu.memory_space<hbm>>
    %dma_wait3A_406 = arith.constant 0 : i32
    %dma_wait3A_407 = tpu.memref_slice %arg4[%multiple_of3A_355, %dma_wait3A_406] : memref<100000x128xf32, #tpu.memory_space<hbm>> -> memref<256x128xf32, #tpu.memory_space<hbm>>
    tpu.wait_dma2 semaphore(%arg13 : memref<!tpu.dma_semaphore, #tpu.memory_space<semaphore_mem>>) src(%arg7 : memref<256x128xf32, #tpu.memory_space<vmem>>) dst(%dma_wait3A_407 : memref<256x128xf32, #tpu.memory_space<hbm>>)
    %add3A_408 = arith.constant 352 : i32
    %add3A_409 = arith.addi %add3A, %add3A_408 : i32
    %min3A_410 = arith.constant 390 : i32
    %min3A_411 = arith.minsi %add3A_409, %min3A_410 : i32
    %mul3A_412 = arith.constant 256 : i32
    %mul3A_413 = arith.muli %min3A_411, %mul3A_412 : i32
    %min3A_414 = arith.constant 99744 : i32
    %min3A_415 = arith.minsi %mul3A_413, %min3A_414 : i32
    %multiple_of3A_416 = tpu.assume_multiple %min3A_415, 8 : i32
    %lt3A_417 = arith.constant 64 : i32
    %lt3A_418 = arith.cmpi slt, %min3A_411, %lt3A_417 : i32
    %convert_element_type3A_419 = arith.extui %lt3A_418 : i1 to i32
    %cond3A_420 = arith.constant 0 : i32
    %cond3A_421 = arith.cmpi ne, %convert_element_type3A_419, %cond3A_420 : i32
    scf.if %cond3A_421 {
      %dma_start3A_513 = arith.constant 0 : i32
      %dma_start3A_514 = tpu.memref_slice %arg3[%multiple_of3A_416, %dma_start3A_513] : memref<16384x128xf32, #tpu.memory_space<hbm>> -> memref<256x128xf32, #tpu.memory_space<hbm>>
      %dma_start3A_515 = arith.constant 0 : i32
      %dma_start3A_516 = tpu.memref_slice %arg3[%multiple_of3A_416, %dma_start3A_515] : memref<16384x128xf32, #tpu.memory_space<hbm>> -> memref<256x128xf32, #tpu.memory_space<hbm>>
      tpu.enqueue_dma source(%dma_start3A_516 : memref<256x128xf32, #tpu.memory_space<hbm>>) target(%arg7 : memref<256x128xf32, #tpu.memory_space<vmem>>) target_semaphore(%arg10 : memref<!tpu.dma_semaphore, #tpu.memory_space<semaphore_mem>>)
    } else {
    }
    %ge3A_422 = arith.constant 64 : i32
    %ge3A_423 = arith.cmpi sge, %min3A_411, %ge3A_422 : i32
    %convert_element_type3A_424 = arith.extui %ge3A_423 : i1 to i32
    %cond3A_425 = arith.constant 0 : i32
    %cond3A_426 = arith.cmpi ne, %convert_element_type3A_424, %cond3A_425 : i32
    scf.if %cond3A_426 {
      %dma_start3A_513 = arith.constant 0 : i32
      %dma_start3A_514 = tpu.memref_slice %arg2[%multiple_of3A_416, %dma_start3A_513] : memref<100000x128xf32, #tpu.memory_space<hbm>> -> memref<256x128xf32, #tpu.memory_space<hbm>>
      %dma_start3A_515 = arith.constant 0 : i32
      %dma_start3A_516 = tpu.memref_slice %arg2[%multiple_of3A_416, %dma_start3A_515] : memref<100000x128xf32, #tpu.memory_space<hbm>> -> memref<256x128xf32, #tpu.memory_space<hbm>>
      tpu.enqueue_dma source(%dma_start3A_516 : memref<256x128xf32, #tpu.memory_space<hbm>>) target(%arg7 : memref<256x128xf32, #tpu.memory_space<vmem>>) target_semaphore(%arg10 : memref<!tpu.dma_semaphore, #tpu.memory_space<semaphore_mem>>)
    } else {
    }
    %add3A_427 = arith.constant 320 : i32
    %add3A_428 = arith.addi %add3A, %add3A_427 : i32
    %min3A_429 = arith.constant 390 : i32
    %min3A_430 = arith.minsi %add3A_428, %min3A_429 : i32
    %mul3A_431 = arith.constant 256 : i32
    %mul3A_432 = arith.muli %min3A_430, %mul3A_431 : i32
    %min3A_433 = arith.constant 99744 : i32
    %min3A_434 = arith.minsi %mul3A_432, %min3A_433 : i32
    %multiple_of3A_435 = tpu.assume_multiple %min3A_434, 8 : i32
    %dma_wait3A_436 = arith.constant 0 : i32
    %dma_wait3A_437 = tpu.memref_slice %arg2[%multiple_of3A_435, %dma_wait3A_436] : memref<100000x128xf32, #tpu.memory_space<hbm>> -> memref<256x128xf32, #tpu.memory_space<hbm>>
    %dma_wait3A_438 = arith.constant 0 : i32
    %dma_wait3A_439 = tpu.memref_slice %arg2[%multiple_of3A_435, %dma_wait3A_438] : memref<100000x128xf32, #tpu.memory_space<hbm>> -> memref<256x128xf32, #tpu.memory_space<hbm>>
    tpu.wait_dma2 semaphore(%arg9 : memref<!tpu.dma_semaphore, #tpu.memory_space<semaphore_mem>>) src(%dma_wait3A_439 : memref<256x128xf32, #tpu.memory_space<hbm>>) dst(%arg6 : memref<256x128xf32, #tpu.memory_space<vmem>>)
    %dma_start3A_440 = arith.constant 0 : i32
    %dma_start3A_441 = tpu.memref_slice %arg4[%multiple_of3A_435, %dma_start3A_440] : memref<100000x128xf32, #tpu.memory_space<hbm>> -> memref<256x128xf32, #tpu.memory_space<hbm>>
    %dma_start3A_442 = arith.constant 0 : i32
    %dma_start3A_443 = tpu.memref_slice %arg4[%multiple_of3A_435, %dma_start3A_442] : memref<100000x128xf32, #tpu.memory_space<hbm>> -> memref<256x128xf32, #tpu.memory_space<hbm>>
    tpu.enqueue_dma source(%arg6 : memref<256x128xf32, #tpu.memory_space<vmem>>) target(%dma_start3A_443 : memref<256x128xf32, #tpu.memory_space<hbm>>) target_semaphore(%arg12 : memref<!tpu.dma_semaphore, #tpu.memory_space<semaphore_mem>>)
    %dma_wait3A_444 = arith.constant 0 : i32
    %dma_wait3A_445 = tpu.memref_slice %arg4[%multiple_of3A_395, %dma_wait3A_444] : memref<100000x128xf32, #tpu.memory_space<hbm>> -> memref<256x128xf32, #tpu.memory_space<hbm>>
    %dma_wait3A_446 = arith.constant 0 : i32
    %dma_wait3A_447 = tpu.memref_slice %arg4[%multiple_of3A_395, %dma_wait3A_446] : memref<100000x128xf32, #tpu.memory_space<hbm>> -> memref<256x128xf32, #tpu.memory_space<hbm>>
    tpu.wait_dma2 semaphore(%arg11 : memref<!tpu.dma_semaphore, #tpu.memory_space<semaphore_mem>>) src(%arg5 : memref<256x128xf32, #tpu.memory_space<vmem>>) dst(%dma_wait3A_447 : memref<256x128xf32, #tpu.memory_space<hbm>>)
    %add3A_448 = arith.constant 384 : i32
    %add3A_449 = arith.addi %add3A, %add3A_448 : i32
    %min3A_450 = arith.constant 390 : i32
    %min3A_451 = arith.minsi %add3A_449, %min3A_450 : i32
    %mul3A_452 = arith.constant 256 : i32
    %mul3A_453 = arith.muli %min3A_451, %mul3A_452 : i32
    %min3A_454 = arith.constant 99744 : i32
    %min3A_455 = arith.minsi %mul3A_453, %min3A_454 : i32
    %multiple_of3A_456 = tpu.assume_multiple %min3A_455, 8 : i32
    %lt3A_457 = arith.constant 64 : i32
    %lt3A_458 = arith.cmpi slt, %min3A_451, %lt3A_457 : i32
    %convert_element_type3A_459 = arith.extui %lt3A_458 : i1 to i32
    %cond3A_460 = arith.constant 0 : i32
    %cond3A_461 = arith.cmpi ne, %convert_element_type3A_459, %cond3A_460 : i32
    scf.if %cond3A_461 {
      %dma_start3A_513 = arith.constant 0 : i32
      %dma_start3A_514 = tpu.memref_slice %arg3[%multiple_of3A_456, %dma_start3A_513] : memref<16384x128xf32, #tpu.memory_space<hbm>> -> memref<256x128xf32, #tpu.memory_space<hbm>>
      %dma_start3A_515 = arith.constant 0 : i32
      %dma_start3A_516 = tpu.memref_slice %arg3[%multiple_of3A_456, %dma_start3A_515] : memref<16384x128xf32, #tpu.memory_space<hbm>> -> memref<256x128xf32, #tpu.memory_space<hbm>>
      tpu.enqueue_dma source(%dma_start3A_516 : memref<256x128xf32, #tpu.memory_space<hbm>>) target(%arg5 : memref<256x128xf32, #tpu.memory_space<vmem>>) target_semaphore(%arg8 : memref<!tpu.dma_semaphore, #tpu.memory_space<semaphore_mem>>)
    } else {
    }
    %ge3A_462 = arith.constant 64 : i32
    %ge3A_463 = arith.cmpi sge, %min3A_451, %ge3A_462 : i32
    %convert_element_type3A_464 = arith.extui %ge3A_463 : i1 to i32
    %cond3A_465 = arith.constant 0 : i32
    %cond3A_466 = arith.cmpi ne, %convert_element_type3A_464, %cond3A_465 : i32
    scf.if %cond3A_466 {
      %dma_start3A_513 = arith.constant 0 : i32
      %dma_start3A_514 = tpu.memref_slice %arg2[%multiple_of3A_456, %dma_start3A_513] : memref<100000x128xf32, #tpu.memory_space<hbm>> -> memref<256x128xf32, #tpu.memory_space<hbm>>
      %dma_start3A_515 = arith.constant 0 : i32
      %dma_start3A_516 = tpu.memref_slice %arg2[%multiple_of3A_456, %dma_start3A_515] : memref<100000x128xf32, #tpu.memory_space<hbm>> -> memref<256x128xf32, #tpu.memory_space<hbm>>
      tpu.enqueue_dma source(%dma_start3A_516 : memref<256x128xf32, #tpu.memory_space<hbm>>) target(%arg5 : memref<256x128xf32, #tpu.memory_space<vmem>>) target_semaphore(%arg8 : memref<!tpu.dma_semaphore, #tpu.memory_space<semaphore_mem>>)
    } else {
    }
    %add3A_467 = arith.constant 352 : i32
    %add3A_468 = arith.addi %add3A, %add3A_467 : i32
    %min3A_469 = arith.constant 390 : i32
    %min3A_470 = arith.minsi %add3A_468, %min3A_469 : i32
    %mul3A_471 = arith.constant 256 : i32
    %mul3A_472 = arith.muli %min3A_470, %mul3A_471 : i32
    %min3A_473 = arith.constant 99744 : i32
    %min3A_474 = arith.minsi %mul3A_472, %min3A_473 : i32
    %multiple_of3A_475 = tpu.assume_multiple %min3A_474, 8 : i32
    %dma_wait3A_476 = arith.constant 0 : i32
    %dma_wait3A_477 = tpu.memref_slice %arg2[%multiple_of3A_475, %dma_wait3A_476] : memref<100000x128xf32, #tpu.memory_space<hbm>> -> memref<256x128xf32, #tpu.memory_space<hbm>>
    %dma_wait3A_478 = arith.constant 0 : i32
    %dma_wait3A_479 = tpu.memref_slice %arg2[%multiple_of3A_475, %dma_wait3A_478] : memref<100000x128xf32, #tpu.memory_space<hbm>> -> memref<256x128xf32, #tpu.memory_space<hbm>>
    tpu.wait_dma2 semaphore(%arg10 : memref<!tpu.dma_semaphore, #tpu.memory_space<semaphore_mem>>) src(%dma_wait3A_479 : memref<256x128xf32, #tpu.memory_space<hbm>>) dst(%arg7 : memref<256x128xf32, #tpu.memory_space<vmem>>)
    %dma_start3A_480 = arith.constant 0 : i32
    %dma_start3A_481 = tpu.memref_slice %arg4[%multiple_of3A_475, %dma_start3A_480] : memref<100000x128xf32, #tpu.memory_space<hbm>> -> memref<256x128xf32, #tpu.memory_space<hbm>>
    %dma_start3A_482 = arith.constant 0 : i32
    %dma_start3A_483 = tpu.memref_slice %arg4[%multiple_of3A_475, %dma_start3A_482] : memref<100000x128xf32, #tpu.memory_space<hbm>> -> memref<256x128xf32, #tpu.memory_space<hbm>>
    tpu.enqueue_dma source(%arg7 : memref<256x128xf32, #tpu.memory_space<vmem>>) target(%dma_start3A_483 : memref<256x128xf32, #tpu.memory_space<hbm>>) target_semaphore(%arg13 : memref<!tpu.dma_semaphore, #tpu.memory_space<semaphore_mem>>)
    %add3A_484 = arith.constant 384 : i32
    %add3A_485 = arith.addi %add3A, %add3A_484 : i32
    %min3A_486 = arith.constant 390 : i32
    %min3A_487 = arith.minsi %add3A_485, %min3A_486 : i32
    %mul3A_488 = arith.constant 256 : i32
    %mul3A_489 = arith.muli %min3A_487, %mul3A_488 : i32
    %min3A_490 = arith.constant 99744 : i32
    %min3A_491 = arith.minsi %mul3A_489, %min3A_490 : i32
    %multiple_of3A_492 = tpu.assume_multiple %min3A_491, 8 : i32
    %dma_wait3A_493 = arith.constant 0 : i32
    %dma_wait3A_494 = tpu.memref_slice %arg2[%multiple_of3A_492, %dma_wait3A_493] : memref<100000x128xf32, #tpu.memory_space<hbm>> -> memref<256x128xf32, #tpu.memory_space<hbm>>
    %dma_wait3A_495 = arith.constant 0 : i32
    %dma_wait3A_496 = tpu.memref_slice %arg2[%multiple_of3A_492, %dma_wait3A_495] : memref<100000x128xf32, #tpu.memory_space<hbm>> -> memref<256x128xf32, #tpu.memory_space<hbm>>
    tpu.wait_dma2 semaphore(%arg8 : memref<!tpu.dma_semaphore, #tpu.memory_space<semaphore_mem>>) src(%dma_wait3A_496 : memref<256x128xf32, #tpu.memory_space<hbm>>) dst(%arg5 : memref<256x128xf32, #tpu.memory_space<vmem>>)
    %dma_start3A_497 = arith.constant 0 : i32
    %dma_start3A_498 = tpu.memref_slice %arg4[%multiple_of3A_492, %dma_start3A_497] : memref<100000x128xf32, #tpu.memory_space<hbm>> -> memref<256x128xf32, #tpu.memory_space<hbm>>
    %dma_start3A_499 = arith.constant 0 : i32
    %dma_start3A_500 = tpu.memref_slice %arg4[%multiple_of3A_492, %dma_start3A_499] : memref<100000x128xf32, #tpu.memory_space<hbm>> -> memref<256x128xf32, #tpu.memory_space<hbm>>
    tpu.enqueue_dma source(%arg5 : memref<256x128xf32, #tpu.memory_space<vmem>>) target(%dma_start3A_500 : memref<256x128xf32, #tpu.memory_space<hbm>>) target_semaphore(%arg11 : memref<!tpu.dma_semaphore, #tpu.memory_space<semaphore_mem>>)
    %dma_wait3A_501 = arith.constant 0 : i32
    %dma_wait3A_502 = tpu.memref_slice %arg4[%multiple_of3A_492, %dma_wait3A_501] : memref<100000x128xf32, #tpu.memory_space<hbm>> -> memref<256x128xf32, #tpu.memory_space<hbm>>
    %dma_wait3A_503 = arith.constant 0 : i32
    %dma_wait3A_504 = tpu.memref_slice %arg4[%multiple_of3A_492, %dma_wait3A_503] : memref<100000x128xf32, #tpu.memory_space<hbm>> -> memref<256x128xf32, #tpu.memory_space<hbm>>
    tpu.wait_dma2 semaphore(%arg11 : memref<!tpu.dma_semaphore, #tpu.memory_space<semaphore_mem>>) src(%arg5 : memref<256x128xf32, #tpu.memory_space<vmem>>) dst(%dma_wait3A_504 : memref<256x128xf32, #tpu.memory_space<hbm>>)
    %dma_wait3A_505 = arith.constant 0 : i32
    %dma_wait3A_506 = tpu.memref_slice %arg4[%multiple_of3A_435, %dma_wait3A_505] : memref<100000x128xf32, #tpu.memory_space<hbm>> -> memref<256x128xf32, #tpu.memory_space<hbm>>
    %dma_wait3A_507 = arith.constant 0 : i32
    %dma_wait3A_508 = tpu.memref_slice %arg4[%multiple_of3A_435, %dma_wait3A_507] : memref<100000x128xf32, #tpu.memory_space<hbm>> -> memref<256x128xf32, #tpu.memory_space<hbm>>
    tpu.wait_dma2 semaphore(%arg12 : memref<!tpu.dma_semaphore, #tpu.memory_space<semaphore_mem>>) src(%arg6 : memref<256x128xf32, #tpu.memory_space<vmem>>) dst(%dma_wait3A_508 : memref<256x128xf32, #tpu.memory_space<hbm>>)
    %dma_wait3A_509 = arith.constant 0 : i32
    %dma_wait3A_510 = tpu.memref_slice %arg4[%multiple_of3A_475, %dma_wait3A_509] : memref<100000x128xf32, #tpu.memory_space<hbm>> -> memref<256x128xf32, #tpu.memory_space<hbm>>
    %dma_wait3A_511 = arith.constant 0 : i32
    %dma_wait3A_512 = tpu.memref_slice %arg4[%multiple_of3A_475, %dma_wait3A_511] : memref<100000x128xf32, #tpu.memory_space<hbm>> -> memref<256x128xf32, #tpu.memory_space<hbm>>
    tpu.wait_dma2 semaphore(%arg13 : memref<!tpu.dma_semaphore, #tpu.memory_space<semaphore_mem>>) src(%arg7 : memref<256x128xf32, #tpu.memory_space<vmem>>) dst(%dma_wait3A_512 : memref<256x128xf32, #tpu.memory_space<hbm>>)
    return
  }
}

</mosaic_0001>

<sc_bundles>
// kernel: kernel.3.cloned.1.call-start
scs
__scs_entry_jumppad:
0x0: {  	(pc) =	sbr.rel $0x88, $3  }
0x1: {  	(tag) =	ssettag $0x0;
	lr =	simm.s32 $0x1  }
0x2: {  	[smem:$0x3F9F] =	sst lr;
	_ =	strace $0xD0000000  }
0x3: {  	_ = 	snop  }
0x4: {  	_ = 	snop  }
0x5: {  	_ = 	snop  }
0x6: {  	_ = 	snop  }
0x7: {  	_ = 	snop  }
__scs_overlays_trampoline_lowered:
0x8: {  	[smem:$0x3FAE] =	sst s0  }
0x9: {  	[smem:$0x3FAF] =	sst s1  }
0xa: {  	[smem:$0x3FB0] =	sst s2  }
0xb: {  	[smem:$0x3FB1] =	sst s3  }
0xc: {  	[smem:$0x3FB2] =	sst s4  }
0xd: {  	[smem:$0x3FB3] =	sst s5  }
0xe: {  	[smem:$0x3FB4] =	sst s6  }
0xf: {  	[smem:$0x3FB5] =	sst s7  }
0x10: {  	[smem:$0x3FB6] =	sst s8  }
0x11: {  	[smem:$0x3FB7] =	sst s9;
	s0 =	simm.s32 @!p0 $0x0  }
0x12: {  	s1 =	sld [smem:$0x3F9D];
	s0 =	simm.s32 @p0 $0x1  }
0x13: {  	[smem:$0x3FB8] =	sst s0;
	s0 =	simm.s32 @!p1 $0x0  }
0x14: {  	s2 =	sld [smem:$0x3F9C];
	s0 =	simm.s32 @p1 $0x1  }
0x15: {  	[smem:$0x3FB9] =	sst s0;
	s0 =	simm.s32 @!p2 $0x0  }
0x16: {  	s3 =	sld [smem:$0x3FDB];
	s0 =	simm.s32 @p2 $0x1  }
0x17: {  	s4 =	simm.s32 $0x1BF5;
	[smem:$0x3FBB] =	sst s0  }
0x18: {  	s0 =	sld [smem:$0x3F9E];
	_ =	swait.ge [sflag:s4], $0x0  }
0x19: {  	s7 =	sld [smem:$0x3F9F]  }
0x1a: {  	s8 =	sadd.s32 $0xFFFFE003, lr  }
0x1b: {  	s9 =	sadd.s32 $0xFFFFFEF7, lr;
	s5 =	simm.s32 $0xFFFFFFFF;
	p2 =	slt.u32 s8, $0xFFFFF086  }
0x1c: {  	p1 =	slt.u32 s9, $0xF7A;
	s5 =	simm.s32 @!p2 $0x0  }
0x1d: {  	s5 =	simm.s32 @p1 $0x1;
	p0 =	seq.s32 s7, s2  }
0x1e: {  	s7 =	smul.u32 @!p0 $0xF7A, s2;
	p2 =	seq.s32 @!p0 s5, $0x0  }
0x1f: {  	s9 =	smul.u32 $0xF7A, s1;
	s8 =	simm.s32 @!p0 $0x1BF5;
	p2 =	por !p2, p0  }
0x20: {  	[sflag:s8] =	ssyncset.s32 @!p0 $0xFFFFF086;
	s6 =	sadd.s32 @!p0 s3, s7;
	s7 =	simm.s32 @!p0 $0x108  }
0x21: {  	s3 =	sadd.s32 s3, s9;
	s6 =	sadd.s32 @!p0 $0x88, s6;
	s7 =	simm.s32 @p2 $0x1082  }
0x22: {  	[simem:s7], [sflag:s8] =	dma.local @!p0 [hbm:s6], $0xF7A  }
0x23: {  	s9 =	sor.u32 $0xD0000000, s2;
	s6 =	simm.s32 $0x108;
	_ =	swait.ge @!p0 [sflag:s8], $0x0  }
0x24: {  	s3 =	sadd.s32 $0x88, s3;
	s6 =	simm.s32 @!p1 $0x1082;
	[sflag:s4] =	ssyncset.s32 $0xFFFFF086  }
0x25: {  	[simem:s6], [sflag:s4] =	dma.local [hbm:s3], $0xF7A  }
0x26: {  	[smem:$0x3F9F] =	sst s1;
	(tag) =	ssettag s2;
	_ =	strace s9  }
0x27: {  	s1 =	sld [smem:$0x3FAF]  }
0x28: {  	s2 =	sld [smem:$0x3FB0]  }
0x29: {  	s4 =	sld [smem:$0x3FB2]  }
0x2a: {  	p0 =	seq.s32 s5, $0x0;
	s5 =	sld [smem:$0x3FB3]  }
0x2b: {  	s6 =	sld [smem:$0x3FB4]  }
0x2c: {  	s7 =	sld [smem:$0x3FB5]  }
0x2d: {  	s3 =	simm.s32 $0x108;
	s8 =	sld [smem:$0x3FB6]  }
0x2e: {  	s3 =	simm.s32 @!p0 $0x1082;
	s9 =	sld [smem:$0x3FB7]  }
0x2f: {  	lr =	sadd.s32 s0, s3;
	s0 =	sld [smem:$0x3FAE]  }
0x30: {  	s3 =	sld [smem:$0x3FB1]  }
0x31: {  	[smem:$0x3FBA] =	sst s10  }
0x32: {  	s10 =	sld [smem:$0x3FB8];
	_ =	sdelay $0x3  }
0x33: {  	p0 =	seq.s32 s10, $0x1;
	s10 =	sld [smem:$0x3FBA];
	_ =	sdelay $0x3  }
0x34: {  	[smem:$0x3FBA] =	sst s10  }
0x35: {  	s10 =	sld [smem:$0x3FB9];
	_ =	sdelay $0x3  }
0x36: {  	p1 =	seq.s32 s10, $0x1;
	s10 =	sld [smem:$0x3FBA];
	_ =	sdelay $0x3  }
0x37: {  	[smem:$0x3FBA] =	sst s10  }
0x38: {  	s10 =	sld [smem:$0x3FBB]  }
0x39: {  	_ = 	snop;
	(pc) =	sbr.ind lr, $3  }
0x3a: {  	_ = 	snop  }
0x3b: {  	_ = 	snop  }
0x3c: {  	p2 =	seq.s32 s10, $0x1;
	s10 =	sld [smem:$0x3FBA]  }
0x3d: {  	_ =	shalt  }
0x3e: {  	_ =	shalt  }
0x3f: {  	_ =	shalt  }
0x40: {  	_ =	shalt  }
0x41: {  	_ =	shalt  }
0x42: {  	_ =	shalt  }
0x43: {  	_ =	shalt  }
0x44: {  	_ =	shalt  }
0x45: {  	_ =	shalt  }
0x46: {  	_ =	shalt  }
0x47: {  	_ =	shalt  }
0x48: {  	_ =	shalt  }
0x49: {  	_ =	shalt  }
0x4a: {  	_ =	shalt  }
0x4b: {  	_ =	shalt  }
0x4c: {  	_ =	shalt  }
0x4d: {  	_ =	shalt  }
0x4e: {  	_ =	shalt  }
0x4f: {  	_ =	shalt  }
0x50: {  	_ =	shalt  }
0x51: {  	_ =	shalt  }
0x52: {  	_ =	shalt  }
0x53: {  	_ =	shalt  }
0x54: {  	_ =	shalt  }
0x55: {  	_ =	shalt  }
0x56: {  	_ =	shalt  }
0x57: {  	_ =	shalt  }
0x58: {  	_ =	shalt  }
0x59: {  	_ =	shalt  }
0x5a: {  	_ =	shalt  }
0x5b: {  	_ =	shalt  }
0x5c: {  	_ =	shalt  }
0x5d: {  	_ =	shalt  }
0x5e: {  	_ =	shalt  }
0x5f: {  	_ =	shalt  }
0x60: {  	_ =	shalt  }
0x61: {  	_ =	shalt  }
0x62: {  	_ =	shalt  }
0x63: {  	_ =	shalt  }
0x64: {  	_ =	shalt  }
0x65: {  	_ =	shalt  }
0x66: {  	_ =	shalt  }
0x67: {  	_ =	shalt  }
0x68: {  	_ =	shalt  }
0x69: {  	_ =	shalt  }
0x6a: {  	_ =	shalt  }
0x6b: {  	_ =	shalt  }
0x6c: {  	_ =	shalt  }
0x6d: {  	_ =	shalt  }
0x6e: {  	_ =	shalt  }
0x6f: {  	_ =	shalt  }
0x70: {  	_ =	shalt  }
0x71: {  	_ =	shalt  }
0x72: {  	_ =	shalt  }
0x73: {  	_ =	shalt  }
0x74: {  	_ =	shalt  }
0x75: {  	_ =	shalt  }
0x76: {  	_ =	shalt  }
0x77: {  	_ =	shalt  }
0x78: {  	_ =	shalt  }
0x79: {  	_ =	shalt  }
0x7a: {  	_ =	shalt  }
0x7b: {  	_ =	shalt  }
0x7c: {  	_ =	shalt  }
0x7d: {  	_ =	shalt  }
0x7e: {  	_ =	shalt  }
0x7f: {  	_ =	shalt  }
0x80: {  	_ =	shalt  }
0x81: {  	_ =	shalt  }
0x82: {  	_ =	shalt  }
0x83: {  	_ =	shalt  }
0x84: {  	_ =	shalt  }
0x85: {  	_ =	shalt  }
0x86: {  	_ =	shalt  }
0x87: {  	_ =	shalt  }
.Lfunc_end0:
.L_simem_size_0:
called_computation_lowered:
.L_overlay_start_0:
0x88: {  	s2 =	sld [smem:$0x3FD9]  }
0x89: {  	s3 =	sld [smem:$0x3FFE];
	_ =	sdelay $0x1  }
0x8a: {  	s1 =	srdreg.scid  }
0x8b: {  	s0 =	sand.u32 $0x1, s1  }
0x8c: {  	s18 =	sshll.u32 s0, $0xA;
	s2 =	sadd.s32 s3, s2  }
0x8d: {  	s2 =	sadd.s32 s2, s18  }
0x8e: {  	[smem:$0x3FC6] =	sst s2  }
0x8f: {  	_ = 	snop  }
0x90: {  	s2 =	sld [smem:$0x3FC9]  }
0x91: {  	s19 =	sld [smem:$0x3FC8]  }
0x92: {  	s4 =	sld [smem:$0x3FD0];
	(tm) =	ssettm $0x1  }
0x93: {  	s5 =	sld [smem:$0x3FFB];
	_ =	sdelay $0x3  }
0x94: {  	_ =	strace s5  }
0x95: {  	s5 =	sld [smem:$0x3FFC];
	_ =	sdelay $0x3  }
0x96: {  	_ =	strace s5  }
0x97: {  	s5 =	sld [smem:$0x3FFD];
	_ =	sdelay $0x3  }
0x98: {  	_ =	strace s5  }
0x99: {  	_ =	strace $0x8FFFFFFF  }
0x9a: {  	s20 =	sld [smem:$0x3FDB];
	_ =	sdelay $0x1  }
0x9b: {  	s6 =	simm.s32 $_scs_section_size  }
0x9c: {  	s7 =	simm.s32 $_size__tile_overlayer_lowered;
	s8 =	simm.s32 $_tile_overlayer_lowered  }
0x9d: {  	s23 =	simm.s32 $0x1BFF;
	s22 =	sshll.u32 s8, $0x1;
	s5 =	sadd.s32 s6, s20  }
0x9e: {  	s9 =	simm.s32 $0x0;
	s21 =	sshll.u32 s7, $0x1;
	s7 =	sadd.s32 s22, s5  }
0x9f: {  	[timem:s9], [sflag:s23] =	dma.local [hbm:s7], s21  }
0xa0: {  	_ =	swait.ge [sflag:s23], s21  }
0xa1: {  	s6 =	ssub.s32 $0x0, s21;
	[sflag:s23] =	ssyncset.done $0x0  }
0xa2: {  	[sflag:s23] =	ssyncadd.s32 s6;
	_ =	sdelay $0x1  }
0xa3: {  	s24 =	simm.s32 $0x1B8B  }
0xa4: {  	_ =	swait.ge [sflag:s24], $0x1  }
0xa5: {  	[sflag:s24] =	ssyncset.done $0x0  }
0xa6: {  	s25 =	simm.s32 $0x1B8E;
	[sflag:s24] =	ssyncadd.s32 $0xFFFFFFFF  }
0xa7: {  	s26 =	simm.s32 $execute0_lowered;
	[smem:$0x3FD2] =	sst s25  }
0xa8: {  	s6 =	sshll.u32 s26, $0x1;
	_ =	strace $0x80000046;
	[dreg:$0x1] =	wrdreg $0xFFFFFFFF  }
0xa9: {  	s28 =	simm.s32 $_size_execute0_lowered;
	s5 =	sadd.s32 s5, s6;
	[dreg:$0x0] =	wrdreg $0x0  }
0xaa: {  	s6 =	sshll.u32 s28, $0x1;
	[dreg:$0x2] =	wrdreg s5  }
0xab: {  	[dreg:$0x3] =	wrdreg s6  }
0xac: {  	[dreg:$0x4] =	wrdreg $0xC0  }
0xad: {  	_ =	task [dreg:s9], $0x5FFFF  }
0xae: {  	[dreg:$0x1] =	wrdreg $0xFFFFFFFF  }
0xaf: {  	[dreg:$0x0] =	wrdreg $0x60  }
0xb0: {  	[dreg:$0x2] =	wrdreg s2  }
0xb1: {  	[dreg:$0x3] =	wrdreg s19  }
0xb2: {  	[dreg:$0x4] =	wrdreg s4  }
0xb3: {  	[dreg:$0x5] =	wrdreg $0x9  }
0xb4: {  	_ =	task.clear_ibuf [dreg:s9], $0x6FFFF;
	_ =	strace $0x90000046  }
0xb5: {  	s29 =	simm.s32 $0x9;
	_ =	strace $0x80000048  }
0xb6: {  	_ =	swait.ge [sflag:s29], $0x1  }
0xb7: {  	[sflag:s29] =	ssyncadd.s32 $0xFFFFFFFF  }
0xb8: {  	_ =	strace $0x90000048  }
0xb9: {  	_ =	sfence  }
0xba: {  	s30 =	sld [smem:$0x0];
	_ =	sdelay $0x2  }
0xbb: {  	s31 =	sshll.u32 s1, $0xD;
	s1 =	sshrl.u32 s1, $0x2  }
0xbc: {  	s3 =	sand.u32 $0x4000, s31;
	s1 =	sadd.s32 s1, s30  }
0xbd: {  	s0 =	sor.u32 s3, s0;
	s1 =	sshll.u32 s1, $0x11  }
0xbe: {  	s0 =	sor.u32 s1, s0  }
0xbf: {  	s0 =	sadd.s32 $0x8F2B, s0  }
0xc0: {  	[sflag:s0] =	ssyncadd.remote.s32 $0x1  }
0xc1: {  	_ =	sfence.sel $0xFFFF  }
0xc2: {  	[dreg:$0x0] =	wrdreg $0xFFFFFFFF;
	(pc) =	sbr.abs _section_cstart, $3  }
0xc3: {  	[dreg:$0x1] =	wrdreg $0xFFFFFFFF  }
0xc4: {  	_ =	task.clear_ibuf [dreg:s9], $0x2FFFF;
	_ =	strace $0x9FFFFFFF  }
0xc5: {  	(tm) =	ssettm $0x7FFFFFFF  }
tec
execute0_lowered:
.L_overlay_start_1:
0x0: {  	(tag) =	ssettag $0x1  }
0x1: {  	s29 =	rddreg [dreg:$0x0]  }
0x2: {  	s3 =	rddreg [dreg:$0x1]  }
0x3: {  	s1 =	srdreg.scid;
	s0 =	stileid.u32  }
0x4: {  	s2 =	simm.s32 $0x0;
	s1 =	sand.u32 $0x1, s1;
	s4 =	sshll.u32 s0, $0x1  }
0x5: {  	[smem:$0x7FF] =	sst s2;
	s28 =	sor.u32 s1, s4  }
0x6: {  	[dreg:$0xb] =	wrdreg s1;
	s26 =	sshll.u32 s28, $0xC  }
0x7: {  	s31 =	rddreg [dreg:$0x2];
	_ =	strace $0x80000047;
	s20 =	sadd.s32 s3, s26  }
0x8: {  	s5 =	sor.u32 $0x20000, s26;
	s21 =	sadd.s32 s31, s26;
	[dreg:$0x4] =	wrdreg s20  }
0x9: {  	s9 =	sor.u32 $0x40000, s26;
	s3 =	sadd.s32 s3, s5;
	[dreg:$0x6] =	wrdreg s21  }
0xa: {  	s22 =	sadd.s32 s29, s9;
	[dreg:$0x5] =	wrdreg s3  }
0xb: {  	[dreg:$0x7] =	wrdreg s22  }
0xc: {  	s12 =	sor.u32 $0x60000, s26;
	s23 =	sadd.s32 s31, s5;
	s4 =	rddreg [dreg:$0x4]  }
0xd: {  	s24 =	sadd.s32 s29, s12;
	[dreg:$0x8] =	wrdreg s23  }
0xe: {  	[dreg:$0x9] =	wrdreg s24  }
0xf: {  	[tilespmem:s2], [sflag:$0x1] =	stream.linear.gather [hbm4b:s4+s2], $0x8000, $0x38;
	[tilespmem:$0x18000] =	vst v63  }
0x10: {  	s3 =	simm.s32 $0x8000;
	s25 =	rddreg [dreg:$0x5];
	s4 =	simm.s32 $0x1  }
0x11: {  	[tilespmem:s3], [sflag:$0x2] =	stream.linear.gather [hbm4b:s25+s2], $0x8000, $0x38;
	[tilespmem:$0x18000] =	vst v63  }
0x12: {  	_ =	swait.ge [sflag:s4], $0x8000  }
0x13: {  	[sflag:s4] =	ssyncset.done $0x0  }
0x14: {  	s0 =	rddreg [dreg:$0x6];
	[sflag:s4] =	ssyncadd.s32 $0xFFFF8000  }
0x15: {  	[hbm4b:s0+s2] =	stream.linear.scatter [tilespmem:s2], [sflag:$0x4], $0x8000, $0x38;
	[tilespmem:$0x18000] =	vst v63  }
0x16: {  	s6 =	simm.s32 $0x2;
	s5 =	simm.s32 $0x10000;
	s7 =	rddreg [dreg:$0x7]  }
0x17: {  	[tilespmem:s5], [sflag:$0x3] =	stream.linear.gather [hbm4b:s7+s2], $0x8000, $0x38;
	[tilespmem:$0x18000] =	vst v63  }
0x18: {  	_ =	swait.ge [sflag:s6], $0x8000  }
0x19: {  	[sflag:s6] =	ssyncset.done $0x0  }
0x1a: {  	s7 =	simm.s32 $0x4;
	s8 =	rddreg [dreg:$0x8];
	[sflag:s6] =	ssyncadd.s32 $0xFFFF8000  }
0x1b: {  	[hbm4b:s8+s2] =	stream.linear.scatter [tilespmem:s3], [sflag:$0x5], $0x8000, $0x38;
	[tilespmem:$0x18000] =	vst v63  }
0x1c: {  	_ =	swait.ge [sflag:s7], $0x8000  }
0x1d: {  	[sflag:s7] =	ssyncset.done $0x0  }
0x1e: {  	s8 =	simm.s32 $0x3;
	s10 =	rddreg [dreg:$0x9];
	[sflag:s7] =	ssyncadd.s32 $0xFFFF8000  }
0x1f: {  	[tilespmem:s2], [sflag:$0x1] =	stream.linear.gather [hbm4b:s10+s2], $0x8000, $0x38;
	[tilespmem:$0x18000] =	vst v63  }
0x20: {  	_ =	swait.ge [sflag:s8], $0x8000  }
0x21: {  	s1 =	sadd.s32 s31, s9;
	[sflag:s8] =	ssyncset.done $0x0  }
0x22: {  	s10 =	simm.s32 $0x5;
	[dreg:$0xa] =	wrdreg s1;
	[sflag:s8] =	ssyncadd.s32 $0xFFFF8000  }
0x23: {  	[hbm4b:s1+s2] =	stream.linear.scatter [tilespmem:s5], [sflag:$0x6], $0x8000, $0x38;
	[tilespmem:$0x18000] =	vst v63  }
0x24: {  	_ =	swait.ge [sflag:s10], $0x8000  }
0x25: {  	s15 =	sor.u32 $0x80000, s26;
	[sflag:s10] =	ssyncset.done $0x0  }
0x26: {  	s11 =	sadd.s32 s29, s15;
	[sflag:s10] =	ssyncadd.s32 $0xFFFF8000  }
0x27: {  	[tilespmem:s3], [sflag:$0x2] =	stream.linear.gather [hbm4b:s11+s2], $0x8000, $0x38;
	[tilespmem:$0x18000] =	vst v63  }
0x28: {  	_ =	swait.ge [sflag:s4], $0x8000  }
0x29: {  	[sflag:s4] =	ssyncset.done $0x0  }
0x2a: {  	s13 =	sadd.s32 s31, s12;
	s12 =	simm.s32 $0x6;
	[sflag:s4] =	ssyncadd.s32 $0xFFFF8000  }
0x2b: {  	[hbm4b:s13+s2] =	stream.linear.scatter [tilespmem:s2], [sflag:$0x4], $0x8000, $0x38;
	[tilespmem:$0x18000] =	vst v63  }
0x2c: {  	_ =	swait.ge [sflag:s12], $0x8000  }
0x2d: {  	s17 =	sor.u32 $0xA0000, s26;
	[sflag:s12] =	ssyncset.done $0x0  }
0x2e: {  	s14 =	sadd.s32 s29, s17;
	[sflag:s12] =	ssyncadd.s32 $0xFFFF8000  }
0x2f: {  	[tilespmem:s5], [sflag:$0x3] =	stream.linear.gather [hbm4b:s14+s2], $0x8000, $0x38;
	[tilespmem:$0x18000] =	vst v63  }
0x30: {  	_ =	swait.ge [sflag:s6], $0x8000  }
0x31: {  	[sflag:s6] =	ssyncset.done $0x0  }
0x32: {  	s15 =	sadd.s32 s31, s15;
	[sflag:s6] =	ssyncadd.s32 $0xFFFF8000  }
0x33: {  	[hbm4b:s15+s2] =	stream.linear.scatter [tilespmem:s3], [sflag:$0x5], $0x8000, $0x38;
	[tilespmem:$0x18000] =	vst v63  }
0x34: {  	_ =	swait.ge [sflag:s7], $0x8000  }
0x35: {  	s19 =	sor.u32 $0xC0000, s26;
	[sflag:s7] =	ssyncset.done $0x0  }
0x36: {  	s16 =	sadd.s32 s29, s19;
	[sflag:s7] =	ssyncadd.s32 $0xFFFF8000  }
0x37: {  	[tilespmem:s2], [sflag:$0x1] =	stream.linear.gather [hbm4b:s16+s2], $0x8000, $0x38;
	[tilespmem:$0x18000] =	vst v63  }
0x38: {  	_ =	swait.ge [sflag:s8], $0x8000  }
0x39: {  	[sflag:s8] =	ssyncset.done $0x0  }
0x3a: {  	s17 =	sadd.s32 s31, s17;
	[sflag:s8] =	ssyncadd.s32 $0xFFFF8000  }
0x3b: {  	[hbm4b:s17+s2] =	stream.linear.scatter [tilespmem:s5], [sflag:$0x6], $0x8000, $0x38;
	[tilespmem:$0x18000] =	vst v63  }
0x3c: {  	_ =	swait.ge [sflag:s10], $0x8000  }
0x3d: {  	s21 =	sor.u32 $0xE0000, s26;
	[sflag:s10] =	ssyncset.done $0x0  }
0x3e: {  	s18 =	sadd.s32 s29, s21;
	[sflag:s10] =	ssyncadd.s32 $0xFFFF8000  }
0x3f: {  	[tilespmem:s3], [sflag:$0x2] =	stream.linear.gather [hbm4b:s18+s2], $0x8000, $0x38;
	[tilespmem:$0x18000] =	vst v63  }
0x40: {  	_ =	swait.ge [sflag:s4], $0x8000  }
0x41: {  	[sflag:s4] =	ssyncset.done $0x0  }
0x42: {  	s19 =	sadd.s32 s31, s19;
	[sflag:s4] =	ssyncadd.s32 $0xFFFF8000  }
0x43: {  	[hbm4b:s19+s2] =	stream.linear.scatter [tilespmem:s2], [sflag:$0x4], $0x8000, $0x38;
	[tilespmem:$0x18000] =	vst v63  }
0x44: {  	_ =	swait.ge [sflag:s12], $0x8000  }
0x45: {  	s23 =	sor.u32 $0x100000, s26;
	[sflag:s12] =	ssyncset.done $0x0  }
0x46: {  	s20 =	sadd.s32 s29, s23;
	[sflag:s12] =	ssyncadd.s32 $0xFFFF8000  }
0x47: {  	[tilespmem:s5], [sflag:$0x3] =	stream.linear.gather [hbm4b:s20+s2], $0x8000, $0x38;
	[tilespmem:$0x18000] =	vst v63  }
0x48: {  	_ =	swait.ge [sflag:s6], $0x8000  }
0x49: {  	[sflag:s6] =	ssyncset.done $0x0  }
0x4a: {  	s21 =	sadd.s32 s31, s21;
	[sflag:s6] =	ssyncadd.s32 $0xFFFF8000  }
0x4b: {  	[hbm4b:s21+s2] =	stream.linear.scatter [tilespmem:s3], [sflag:$0x5], $0x8000, $0x38;
	[tilespmem:$0x18000] =	vst v63  }
0x4c: {  	_ =	swait.ge [sflag:s7], $0x8000  }
0x4d: {  	s25 =	sor.u32 $0x120000, s26;
	[sflag:s7] =	ssyncset.done $0x0  }
0x4e: {  	s22 =	sadd.s32 s29, s25;
	[sflag:s7] =	ssyncadd.s32 $0xFFFF8000  }
0x4f: {  	[tilespmem:s2], [sflag:$0x1] =	stream.linear.gather [hbm4b:s22+s2], $0x8000, $0x38;
	[tilespmem:$0x18000] =	vst v63  }
0x50: {  	_ =	swait.ge [sflag:s8], $0x8000  }
0x51: {  	[sflag:s8] =	ssyncset.done $0x0  }
0x52: {  	s23 =	sadd.s32 s31, s23;
	[sflag:s8] =	ssyncadd.s32 $0xFFFF8000  }
0x53: {  	[hbm4b:s23+s2] =	stream.linear.scatter [tilespmem:s5], [sflag:$0x6], $0x8000, $0x38;
	[tilespmem:$0x18000] =	vst v63  }
0x54: {  	_ =	swait.ge [sflag:s10], $0x8000  }
0x55: {  	s30 =	sor.u32 $0x140000, s26;
	[sflag:s10] =	ssyncset.done $0x0  }
0x56: {  	s24 =	sadd.s32 s29, s30;
	[sflag:s10] =	ssyncadd.s32 $0xFFFF8000  }
0x57: {  	[tilespmem:s3], [sflag:$0x2] =	stream.linear.gather [hbm4b:s24+s2], $0x8000, $0x38;
	[tilespmem:$0x18000] =	vst v63  }
0x58: {  	_ =	swait.ge [sflag:s4], $0x8000  }
0x59: {  	[sflag:s4] =	ssyncset.done $0x0  }
0x5a: {  	s25 =	sadd.s32 s31, s25;
	[sflag:s4] =	ssyncadd.s32 $0xFFFF8000  }
0x5b: {  	[hbm4b:s25+s2] =	stream.linear.scatter [tilespmem:s2], [sflag:$0x4], $0x8000, $0x38;
	[tilespmem:$0x18000] =	vst v63  }
0x5c: {  	_ =	swait.ge [sflag:s12], $0x8000  }
0x5d: {  	s1 =	sor.u32 $0x160000, s26;
	[sflag:s12] =	ssyncset.done $0x0  }
0x5e: {  	s26 =	sadd.s32 s29, s1;
	[sflag:s12] =	ssyncadd.s32 $0xFFFF8000  }
0x5f: {  	[tilespmem:s5], [sflag:$0x3] =	stream.linear.gather [hbm4b:s26+s2], $0x8000, $0x38;
	[tilespmem:$0x18000] =	vst v63  }
0x60: {  	s28 =	smin.u32 s28, $0x6;
	_ =	swait.ge [sflag:s6], $0x8000  }
0x61: {  	s9 =	sshll.u32 s28, $0x8;
	[sflag:s6] =	ssyncset.done $0x0  }
0x62: {  	s28 =	sadd.s32 s31, s30;
	s0 =	sor.u32 $0x18000, s9;
	[sflag:s6] =	ssyncadd.s32 $0xFFFF8000  }
0x63: {  	[hbm4b:s28+s2] =	stream.linear.scatter [tilespmem:s3], [sflag:$0x5], $0x8000, $0x38;
	[tilespmem:$0x18000] =	vst v63  }
0x64: {  	s0 =	smin.u32 s0, $0x185A0;
	_ =	swait.ge [sflag:s7], $0x8000  }
0x65: {  	s0 =	sshll.u32 s0, $0x4;
	[sflag:s7] =	ssyncset.done $0x0  }
0x66: {  	s29 =	sadd.s32 s29, s0;
	[sflag:s7] =	ssyncadd.s32 $0xFFFF8000  }
0x67: {  	[tilespmem:s2], [sflag:$0x1] =	stream.linear.gather [hbm4b:s29+s2], $0x8000, $0x38;
	[tilespmem:$0x18000] =	vst v63  }
0x68: {  	_ =	swait.ge [sflag:s8], $0x8000  }
0x69: {  	[sflag:s8] =	ssyncset.done $0x0  }
0x6a: {  	s30 =	sadd.s32 s31, s1;
	[sflag:s8] =	ssyncadd.s32 $0xFFFF8000  }
0x6b: {  	[hbm4b:s30+s2] =	stream.linear.scatter [tilespmem:s5], [sflag:$0x6], $0x8000, $0x38;
	[tilespmem:$0x18000] =	vst v63  }
0x6c: {  	_ =	swait.ge [sflag:s4], $0x8000  }
0x6d: {  	[sflag:s4] =	ssyncset.done $0x0  }
0x6e: {  	s31 =	sadd.s32 s31, s0;
	[sflag:s4] =	ssyncadd.s32 $0xFFFF8000  }
0x6f: {  	[hbm4b:s31+s2] =	stream.linear.scatter [tilespmem:s2], [sflag:$0x4], $0x8000, $0x38;
	[tilespmem:$0x18000] =	vst v63  }
0x70: {  	_ =	swait.ge [sflag:s7], $0x8000  }
0x71: {  	s1 =	rddreg [dreg:$0xb]  }
0x72: {  	s0 =	ssub.s32 $0x2, s1  }
0x73: {  	s9 =	sshrl.u32 s0, $0x1  }
0x74: {  	s0 =	ssub.s32 s0, s9  }
0x75: {  	s0 =	smax.u32 s0, $0x1  }
0x76: {  	[sflag:s7] =	ssyncset.done $0x0;
	p0 =	sne.s32 s0, $0x1  }
.Ltmp0:
0x77: {  	[sflag:s7] =	ssyncadd.s32 $0xFFFF8000;
	(pc) =	sbr.rel @!p0 .LBB2_2-.Ltmp0, $4  }
0x78: {  	_ =	swait.ge [sflag:s10], $0x8000  }
0x79: {  	[sflag:s10] =	ssyncset.done $0x0  }
0x7a: {  	[sflag:s10] =	ssyncadd.s32 $0xFFFF8000  }
0x7b: {  	s1 =	sadd.s32 $0xFFFFFFFF, s0;
	_ =	swait.ge [sflag:s12], $0x8000  }
.LBB2_1:
0x7c: {  	[sflag:s12] =	ssyncset.done $0x0  }
0x7d: {  	s0 =	rddreg [dreg:$0x4];
	[sflag:s12] =	ssyncadd.s32 $0xFFFF8000  }
0x7e: {  	[tilespmem:s2], [sflag:$0x1] =	stream.linear.gather [hbm4b:s0+s2], $0x8000, $0x38;
	[tilespmem:$0x18000] =	vst v63  }
0x7f: {  	s9 =	rddreg [dreg:$0x5]  }
0x80: {  	[tilespmem:s3], [sflag:$0x2] =	stream.linear.gather [hbm4b:s9+s2], $0x8000, $0x38;
	[tilespmem:$0x18000] =	vst v63  }
0x81: {  	_ =	swait.ge [sflag:s4], $0x8000  }
0x82: {  	[sflag:s4] =	ssyncset.done $0x0  }
0x83: {  	s0 =	rddreg [dreg:$0x6];
	[sflag:s4] =	ssyncadd.s32 $0xFFFF8000  }
0x84: {  	[hbm4b:s0+s2] =	stream.linear.scatter [tilespmem:s2], [sflag:$0x4], $0x8000, $0x38;
	[tilespmem:$0x18000] =	vst v63  }
0x85: {  	s9 =	rddreg [dreg:$0x7]  }
0x86: {  	[tilespmem:s5], [sflag:$0x3] =	stream.linear.gather [hbm4b:s9+s2], $0x8000, $0x38;
	[tilespmem:$0x18000] =	vst v63  }
0x87: {  	_ =	swait.ge [sflag:s6], $0x8000  }
0x88: {  	[sflag:s6] =	ssyncset.done $0x0  }
0x89: {  	s9 =	rddreg [dreg:$0x8];
	[sflag:s6] =	ssyncadd.s32 $0xFFFF8000  }
0x8a: {  	[hbm4b:s9+s2] =	stream.linear.scatter [tilespmem:s3], [sflag:$0x5], $0x8000, $0x38;
	[tilespmem:$0x18000] =	vst v63  }
0x8b: {  	_ =	swait.ge [sflag:s7], $0x8000  }
0x8c: {  	[sflag:s7] =	ssyncset.done $0x0  }
0x8d: {  	s9 =	rddreg [dreg:$0x9];
	[sflag:s7] =	ssyncadd.s32 $0xFFFF8000  }
0x8e: {  	[tilespmem:s2], [sflag:$0x1] =	stream.linear.gather [hbm4b:s9+s2], $0x8000, $0x38;
	[tilespmem:$0x18000] =	vst v63  }
0x8f: {  	_ =	swait.ge [sflag:s8], $0x8000  }
0x90: {  	[sflag:s8] =	ssyncset.done $0x0  }
0x91: {  	s9 =	rddreg [dreg:$0xa];
	[sflag:s8] =	ssyncadd.s32 $0xFFFF8000  }
0x92: {  	[hbm4b:s9+s2] =	stream.linear.scatter [tilespmem:s5], [sflag:$0x6], $0x8000, $0x38;
	[tilespmem:$0x18000] =	vst v63  }
0x93: {  	_ =	swait.ge [sflag:s10], $0x8000  }
0x94: {  	[sflag:s10] =	ssyncset.done $0x0  }
0x95: {  	[sflag:s10] =	ssyncadd.s32 $0xFFFF8000  }
0x96: {  	[tilespmem:s3], [sflag:$0x2] =	stream.linear.gather [hbm4b:s11+s2], $0x8000, $0x38;
	[tilespmem:$0x18000] =	vst v63  }
0x97: {  	_ =	swait.ge [sflag:s4], $0x8000  }
0x98: {  	[sflag:s4] =	ssyncset.done $0x0  }
0x99: {  	[sflag:s4] =	ssyncadd.s32 $0xFFFF8000  }
0x9a: {  	[hbm4b:s13+s2] =	stream.linear.scatter [tilespmem:s2], [sflag:$0x4], $0x8000, $0x38;
	[tilespmem:$0x18000] =	vst v63  }
0x9b: {  	_ =	swait.ge [sflag:s12], $0x8000  }
0x9c: {  	[sflag:s12] =	ssyncset.done $0x0  }
0x9d: {  	[sflag:s12] =	ssyncadd.s32 $0xFFFF8000  }
0x9e: {  	[tilespmem:s5], [sflag:$0x3] =	stream.linear.gather [hbm4b:s14+s2], $0x8000, $0x38;
	[tilespmem:$0x18000] =	vst v63  }
0x9f: {  	_ =	swait.ge [sflag:s6], $0x8000  }
0xa0: {  	[sflag:s6] =	ssyncset.done $0x0  }
0xa1: {  	[sflag:s6] =	ssyncadd.s32 $0xFFFF8000  }
0xa2: {  	[hbm4b:s15+s2] =	stream.linear.scatter [tilespmem:s3], [sflag:$0x5], $0x8000, $0x38;
	[tilespmem:$0x18000] =	vst v63  }
0xa3: {  	_ =	swait.ge [sflag:s7], $0x8000  }
0xa4: {  	[sflag:s7] =	ssyncset.done $0x0  }
0xa5: {  	[sflag:s7] =	ssyncadd.s32 $0xFFFF8000  }
0xa6: {  	[tilespmem:s2], [sflag:$0x1] =	stream.linear.gather [hbm4b:s16+s2], $0x8000, $0x38;
	[tilespmem:$0x18000] =	vst v63  }
0xa7: {  	_ =	swait.ge [sflag:s8], $0x8000  }
0xa8: {  	[sflag:s8] =	ssyncset.done $0x0  }
0xa9: {  	[sflag:s8] =	ssyncadd.s32 $0xFFFF8000  }
0xaa: {  	[hbm4b:s17+s2] =	stream.linear.scatter [tilespmem:s5], [sflag:$0x6], $0x8000, $0x38;
	[tilespmem:$0x18000] =	vst v63  }
0xab: {  	_ =	swait.ge [sflag:s10], $0x8000  }
0xac: {  	[sflag:s10] =	ssyncset.done $0x0  }
0xad: {  	[sflag:s10] =	ssyncadd.s32 $0xFFFF8000  }
0xae: {  	[tilespmem:s3], [sflag:$0x2] =	stream.linear.gather [hbm4b:s18+s2], $0x8000, $0x38;
	[tilespmem:$0x18000] =	vst v63  }
0xaf: {  	_ =	swait.ge [sflag:s4], $0x8000  }
0xb0: {  	[sflag:s4] =	ssyncset.done $0x0  }
0xb1: {  	[sflag:s4] =	ssyncadd.s32 $0xFFFF8000  }
0xb2: {  	[hbm4b:s19+s2] =	stream.linear.scatter [tilespmem:s2], [sflag:$0x4], $0x8000, $0x38;
	[tilespmem:$0x18000] =	vst v63  }
0xb3: {  	_ =	swait.ge [sflag:s12], $0x8000  }
0xb4: {  	[sflag:s12] =	ssyncset.done $0x0  }
0xb5: {  	[sflag:s12] =	ssyncadd.s32 $0xFFFF8000  }
0xb6: {  	[tilespmem:s5], [sflag:$0x3] =	stream.linear.gather [hbm4b:s20+s2], $0x8000, $0x38;
	[tilespmem:$0x18000] =	vst v63  }
0xb7: {  	_ =	swait.ge [sflag:s6], $0x8000  }
0xb8: {  	[sflag:s6] =	ssyncset.done $0x0  }
0xb9: {  	[sflag:s6] =	ssyncadd.s32 $0xFFFF8000  }
0xba: {  	[hbm4b:s21+s2] =	stream.linear.scatter [tilespmem:s3], [sflag:$0x5], $0x8000, $0x38;
	[tilespmem:$0x18000] =	vst v63  }
0xbb: {  	_ =	swait.ge [sflag:s7], $0x8000  }
0xbc: {  	[sflag:s7] =	ssyncset.done $0x0  }
0xbd: {  	[sflag:s7] =	ssyncadd.s32 $0xFFFF8000  }
0xbe: {  	[tilespmem:s2], [sflag:$0x1] =	stream.linear.gather [hbm4b:s22+s2], $0x8000, $0x38;
	[tilespmem:$0x18000] =	vst v63  }
0xbf: {  	_ =	swait.ge [sflag:s8], $0x8000  }
0xc0: {  	[sflag:s8] =	ssyncset.done $0x0  }
0xc1: {  	[sflag:s8] =	ssyncadd.s32 $0xFFFF8000  }
0xc2: {  	[hbm4b:s23+s2] =	stream.linear.scatter [tilespmem:s5], [sflag:$0x6], $0x8000, $0x38;
	[tilespmem:$0x18000] =	vst v63  }
0xc3: {  	_ =	swait.ge [sflag:s10], $0x8000  }
0xc4: {  	[sflag:s10] =	ssyncset.done $0x0  }
0xc5: {  	[sflag:s10] =	ssyncadd.s32 $0xFFFF8000  }
0xc6: {  	[tilespmem:s3], [sflag:$0x2] =	stream.linear.gather [hbm4b:s24+s2], $0x8000, $0x38;
	[tilespmem:$0x18000] =	vst v63  }
0xc7: {  	_ =	swait.ge [sflag:s4], $0x8000  }
0xc8: {  	[sflag:s4] =	ssyncset.done $0x0  }
0xc9: {  	[sflag:s4] =	ssyncadd.s32 $0xFFFF8000  }
0xca: {  	[hbm4b:s25+s2] =	stream.linear.scatter [tilespmem:s2], [sflag:$0x4], $0x8000, $0x38;
	[tilespmem:$0x18000] =	vst v63  }
0xcb: {  	_ =	swait.ge [sflag:s12], $0x8000  }
0xcc: {  	[sflag:s12] =	ssyncset.done $0x0  }
0xcd: {  	[sflag:s12] =	ssyncadd.s32 $0xFFFF8000  }
0xce: {  	[tilespmem:s5], [sflag:$0x3] =	stream.linear.gather [hbm4b:s26+s2], $0x8000, $0x38;
	[tilespmem:$0x18000] =	vst v63  }
0xcf: {  	_ =	swait.ge [sflag:s6], $0x8000  }
0xd0: {  	[sflag:s6] =	ssyncset.done $0x0  }
0xd1: {  	[sflag:s6] =	ssyncadd.s32 $0xFFFF8000  }
0xd2: {  	[hbm4b:s28+s2] =	stream.linear.scatter [tilespmem:s3], [sflag:$0x5], $0x8000, $0x38;
	[tilespmem:$0x18000] =	vst v63  }
0xd3: {  	_ =	swait.ge [sflag:s7], $0x8000  }
0xd4: {  	[sflag:s7] =	ssyncset.done $0x0  }
0xd5: {  	[sflag:s7] =	ssyncadd.s32 $0xFFFF8000  }
0xd6: {  	[tilespmem:s2], [sflag:$0x1] =	stream.linear.gather [hbm4b:s29+s2], $0x8000, $0x38;
	[tilespmem:$0x18000] =	vst v63  }
0xd7: {  	_ =	swait.ge [sflag:s8], $0x8000  }
0xd8: {  	[sflag:s8] =	ssyncset.done $0x0  }
0xd9: {  	[sflag:s8] =	ssyncadd.s32 $0xFFFF8000  }
0xda: {  	[hbm4b:s30+s2] =	stream.linear.scatter [tilespmem:s5], [sflag:$0x6], $0x8000, $0x38;
	[tilespmem:$0x18000] =	vst v63  }
0xdb: {  	_ =	swait.ge [sflag:s4], $0x8000  }
0xdc: {  	[sflag:s4] =	ssyncset.done $0x0  }
0xdd: {  	[sflag:s4] =	ssyncadd.s32 $0xFFFF8000  }
0xde: {  	[hbm4b:s31+s2] =	stream.linear.scatter [tilespmem:s2], [sflag:$0x4], $0x8000, $0x38;
	[tilespmem:$0x18000] =	vst v63  }
0xdf: {  	_ =	swait.ge [sflag:s7], $0x8000  }
0xe0: {  	p0 =	sne.s32 s1, $0x1;
	[sflag:s7] =	ssyncset.done $0x0  }
.Ltmp1:
0xe1: {  	[sflag:s7] =	ssyncadd.s32 $0xFFFF8000;
	(pc) =	sbr.rel @p0 .LBB2_1-.Ltmp1, $4  }
0xe2: {  	_ =	swait.ge [sflag:s10], $0x8000  }
0xe3: {  	[sflag:s10] =	ssyncset.done $0x0  }
0xe4: {  	[sflag:s10] =	ssyncadd.s32 $0xFFFF8000  }
0xe5: {  	s1 =	sadd.s32 $0xFFFFFFFF, s1;
	_ =	swait.ge [sflag:s12], $0x8000  }
.LBB2_2:
0xe6: {  	[sflag:s12] =	ssyncset.done $0x0  }
0xe7: {  	[sflag:s12] =	ssyncadd.s32 $0xFFFF8000  }
0xe8: {  	_ =	sfence.sel $0x180000  }
0xe9: {  	[bflag:$0x0] =	sbarrier.arrive $0xFFFF  }
0xea: {  	_ =	strace $0x90000047  }
0xeb: {  	s0 =	stileid.u32;
	[bflag:$0x2] =	sbarrier.arrive $0xFFFF  }
0xec: {  	p0 =	sne.s32 s0, $0x0;
	s0 =	rddreg [dreg:$0x3]  }
0xed: {  	s0 =	sadd.s32 @!p0 $0x100000, s0  }
0xee: {  	[sflag:s0] =	ssyncadd.tile.s32 @!p0 $0x1;
	_ =	shalt  }
.Lfunc_end2:
_tile_overlayer_lowered:
.L_overlay_start_2:
0xef: {  	(tag) =	ssettag $0x2  }
0xf0: {  	s0 =	rddreg [dreg:$0x0];
	s2 =	stileid.u32  }
0xf1: {  	s1 =	rddreg [dreg:$0x1];
	p0 =	sne.s32 s2, $0x0  }
0xf2: {  	s3 =	rddreg [dreg:$0x2];
	[bflag:$0x3] =	sbarrier.arrive $0xFFFF;
	s2 =	simm.s32 @!p0 $0x1C07  }
0xf3: {  	[timem:s3], [sflag:s2] =	dma.local @!p0 [hbm:s0], s1  }
0xf4: {  	s0 =	simm.s32 @!p0 $0x7  }
0xf5: {  	_ =	swait.ge @!p0 [sflag:s0], s1  }
0xf6: {  	s1 =	ssub.s32 @!p0 $0x0, s1;
	[sflag:s0] =	ssyncset.done @!p0 $0x0  }
0xf7: {  	[sflag:s0] =	ssyncadd.s32 @!p0 s1  }
0xf8: {  	[bflag:$0x3] =	sbarrier.arrive $0xFFFF  }
0xf9: {  	_ =	shalt  }

</sc_bundles>
